<compile_context>
chip_gen: v7x
topology: tpu7x:2x2x1
jax: 0.10.2.dev20260603
libtpu: 0.0.44.dev20260713+nightly
codegen_flags: <defaults>
</compile_context>

<pallas_src>
import functools

import jax
import jax.numpy as jnp
from jax import lax
from jax.experimental import pallas as pl
from jax.experimental.pallas import tpu as pltpu
from jax.experimental.pallas import tpu_sc as plsc

N_NODES = 10000
N_EDGES = 320000
D = 128

NC = 2
NS = 16
CHUNK = 128
GSZ = 3
TCHUNKS = N_EDGES // CHUNK
CCHUNKS = TCHUNKS // NC
NCHUNK = 78
NG = NCHUNK // GSZ
XTRA = CCHUNKS - NS * NCHUNK
N_PAD = 10240
ROWS_PER_TILE = N_PAD // NS
ZROWS = 128


def _make_sc_aggregate():
    mesh = plsc.VectorSubcoreMesh(core_axis_name="c", subcore_axis_name="s")

    @functools.partial(
        pl.kernel,
        out_type=jax.ShapeDtypeStruct((NC * N_PAD, D), jnp.bfloat16),
        mesh=mesh,
        compiler_params=pltpu.CompilerParams(use_tc_tiling_on_sc=False),
        scratch_types=[
            pltpu.VMEM((2, GSZ, CHUNK), jnp.int32),
            pltpu.VMEM((2, GSZ, CHUNK), jnp.int32),
            pltpu.VMEM((GSZ, CHUNK, D), jnp.bfloat16),
            pltpu.VMEM_SHARED((N_PAD, D), jnp.bfloat16),
            pltpu.VMEM_SHARED((N_PAD, D), jnp.bfloat16),
            [pltpu.SemaphoreType.DMA] * GSZ,
            [pltpu.SemaphoreType.DMA] * GSZ,
            [pltpu.SemaphoreType.DMA] * 2,
        ],
    )
    def agg(src_hbm, dst_hbm, feat_hbm, out_hbm,
            swin, dwin, bufs, table, acc, gsems, ssems, isems):
        cid = lax.axis_index("c")
        sid = lax.axis_index("s")

        @pl.when(sid < NS - 1)
        def _stage_full():
            pltpu.sync_copy(
                feat_hbm.at[pl.ds(sid * ROWS_PER_TILE, ROWS_PER_TILE)],
                table.at[pl.ds(sid * ROWS_PER_TILE, ROWS_PER_TILE)])

        @pl.when(sid == NS - 1)
        def _stage_short():
            last = (NS - 1) * ROWS_PER_TILE
            pltpu.sync_copy(feat_hbm.at[pl.ds(last, N_NODES - last)],
                            table.at[pl.ds(last, N_NODES - last)])

        def _zrow(i, _):
            def _zlane(l, _):
                bufs[0, i, pl.ds(l * 32, 32)] = jnp.zeros((32,), jnp.bfloat16)
                return 0
            return lax.fori_loop(0, D // 32, _zlane, 0)
        lax.fori_loop(0, ZROWS, _zrow, 0)
        for r in range(ROWS_PER_TILE // ZROWS):
            pltpu.sync_copy(bufs.at[0],
                            acc.at[pl.ds((sid * 5 + r) * ZROWS, ZROWS)])
        plsc.subcore_barrier()

        c0 = cid * CCHUNKS + sid * NCHUNK

        def _goff(g):
            return jnp.minimum(c0 + g * GSZ, TCHUNKS - GSZ)

        def _idx_start(g, p):
            pltpu.async_copy(src_hbm.at[pl.ds(_goff(g), GSZ)], swin.at[p],
                             isems[0])
            pltpu.async_copy(dst_hbm.at[pl.ds(_goff(g), GSZ)], dwin.at[p],
                             isems[1])

        def _idx_wait(g, p):
            pltpu.make_async_copy(src_hbm.at[pl.ds(_goff(g), GSZ)],
                                  swin.at[p], isems[0]).wait()
            pltpu.make_async_copy(dst_hbm.at[pl.ds(_goff(g), GSZ)],
                                  dwin.at[p], isems[1]).wait()

        def _gather_start(p, k):
            pltpu.async_copy(table.at[swin.at[p].at[k]], bufs.at[k], gsems[k])

        def _gather_wait(p, k):
            pltpu.make_async_copy(table.at[swin.at[p].at[k]], bufs.at[k],
                                  gsems[k]).wait()

        def _scat_start(p, k):
            pltpu.async_copy(bufs.at[k], acc.at[dwin.at[p].at[k]], ssems[k],
                             add=True)

        def _scat_wait(p, k):
            pltpu.make_async_copy(bufs.at[k], acc.at[dwin.at[p].at[k]],
                                  ssems[k]).wait()

        _idx_start(0, 0)
        _idx_wait(0, 0)
        _idx_start(1, 1)
        for k in range(GSZ):
            _gather_start(0, k)

        def body(g, _):
            p = lax.rem(g, 2)
            q = 1 - p
            for k in range(GSZ):
                _gather_wait(p, k)
                _scat_start(p, k)
            _idx_wait(g + 1, q)
            for k in range(GSZ):
                _scat_wait(p, k)
            for k in range(GSZ):
                _gather_start(q, k)
            _idx_start(g + 2, p)
            return 0

        lax.fori_loop(0, NG - 1, body, 0)
        plast = (NG - 1) % 2
        for k in range(GSZ):
            _gather_wait(plast, k)
            _scat_start(plast, k)
        _idx_wait(NG, 1 - plast)
        for k in range(GSZ):
            _scat_wait(plast, k)

        @pl.when(sid < XTRA)
        def _extra_chunk():
            e = cid * CCHUNKS + NS * NCHUNK + sid
            pltpu.sync_copy(src_hbm.at[pl.ds(e, 1)], swin.at[0].at[pl.ds(0, 1)])
            pltpu.sync_copy(dst_hbm.at[pl.ds(e, 1)], dwin.at[0].at[pl.ds(0, 1)])
            pltpu.async_copy(table.at[swin.at[0].at[0]], bufs.at[0], gsems[0])
            pltpu.make_async_copy(table.at[swin.at[0].at[0]], bufs.at[0],
                                  gsems[0]).wait()
            pltpu.async_copy(bufs.at[0], acc.at[dwin.at[0].at[0]], ssems[0],
                             add=True)
            pltpu.make_async_copy(bufs.at[0], acc.at[dwin.at[0].at[0]],
                                  ssems[0]).wait()

        plsc.subcore_barrier()
        pltpu.sync_copy(
            acc.at[pl.ds(sid * ROWS_PER_TILE, ROWS_PER_TILE)],
            out_hbm.at[pl.ds(cid * N_PAD + sid * ROWS_PER_TILE, ROWS_PER_TILE)])

    return agg


_sc_aggregate = _make_sc_aggregate()


def _tc_combine(partials, weight, bias):
    BM = 2000

    def body(p_ref, w_ref, b_ref, o_ref):
        s = (p_ref[0].astype(jnp.float32) + p_ref[1].astype(jnp.float32))
        o_ref[...] = (jnp.dot(s, w_ref[...], preferred_element_type=jnp.float32)
                      + b_ref[...])

    return pl.pallas_call(
        body,
        grid=(N_NODES // BM,),
        in_specs=[
            pl.BlockSpec((NC, BM, D), lambda i: (0, i, 0)),
            pl.BlockSpec((D, D), lambda i: (0, 0)),
            pl.BlockSpec((1, D), lambda i: (0, 0)),
        ],
        out_specs=pl.BlockSpec((BM, D), lambda i: (i, 0)),
        out_shape=jax.ShapeDtypeStruct((N_NODES, D), jnp.float32),
    )(partials, weight, bias.reshape(1, D))


def kernel(edge_index, features, weight, bias):
    ei = edge_index if edge_index.dtype == jnp.int32 else edge_index.astype(jnp.int32)
    src = ei[0].reshape(TCHUNKS, CHUNK)
    dst = ei[1].reshape(TCHUNKS, CHUNK)
    partials = _sc_aggregate(src, dst, features.astype(jnp.bfloat16))
    return _tc_combine(partials.reshape(NC, N_PAD, D), weight, bias)

# --- scband reference (transcript-rebuilt; emitter-appended) ---
"""Pipeline reference for scband-gcnlayer-17523466568234 (READ-ONLY COPY).

The authoritative reference and input builder live on the scoring server;
editing this copy changes nothing except your own understanding.
"""

import jax, jax.numpy as jnp
import numpy as np

N_NODES = 10000
N_EDGES = 320000
IN_FEATS = 128
OUT_FEATS = 128

def setup_inputs(seed: int = 0) -> dict:
    key = jax.random.key(seed)
    k1, k2, k3 = jax.random.split(key, 3)
    edge_index = jax.random.randint(k1, (2, N_EDGES), 0, N_NODES, dtype=jnp.int64) if jax.config.jax_enable_x64 else jax.random.randint(k1, (2, N_EDGES), 0, N_NODES).astype(jnp.int32)
    features = jax.random.normal(k2, (N_NODES, IN_FEATS), dtype=jnp.float32)
    weight = jax.random.normal(k3, (IN_FEATS, OUT_FEATS), dtype=jnp.float32) * 0.01
    bias = jnp.zeros((OUT_FEATS,), dtype=jnp.float32)
    return {"edge_index": edge_index, "features": features, "weight": weight, "bias": bias}

def reference(edge_index, features, weight, bias):
    # h = features @ W
    h = jnp.matmul(features, weight)
    # DGL update_all(copy_u('h','m'), sum('m','h')): for each edge (src,dst),
    # gather h[src] and scatter-add into dst.
    src = edge_index[0]
    dst = edge_index[1]
    msgs = jnp.take(h, src, axis=0)
    h_agg = jax.ops.segment_sum(msgs, dst, num_segments=N_NODES)
    return h_agg + bias

if __name__ == "__main__":
    import jax
    _d = setup_inputs()
    print(jax.jit(kernel)(*tuple(_d.values())))

</pallas_src>

<mosaic_0001>
#map = affine_map<(d0, d1) -> (0, 0)>
module attributes {stable_mosaic.version = 14 : i64} {
  func.func @agg(%arg0: i32, %arg1: i32, %arg2: memref<2500x128xi32, #tpu.memory_space<hbm>>, %arg3: memref<2500x128xi32, #tpu.memory_space<hbm>>, %arg4: memref<10000x128xbf16, #tpu.memory_space<hbm>>, %arg5: memref<20480x128xbf16, #tpu.memory_space<hbm>>, %arg6: memref<2x3x128xi32, #tpu.memory_space<vmem>>, %arg7: memref<2x3x128xi32, #tpu.memory_space<vmem>>, %arg8: memref<3x128x128xbf16, #tpu.memory_space<vmem>>, %arg9: memref<10240x128xbf16, #tpu.memory_space<vmem_shared>>, %arg10: memref<10240x128xbf16, #tpu.memory_space<vmem_shared>>, %arg11: memref<!tpu.dma_semaphore, #tpu.memory_space<semaphore_mem>>, %arg12: memref<!tpu.dma_semaphore, #tpu.memory_space<semaphore_mem>>, %arg13: memref<!tpu.dma_semaphore, #tpu.memory_space<semaphore_mem>>, %arg14: memref<!tpu.dma_semaphore, #tpu.memory_space<semaphore_mem>>, %arg15: memref<!tpu.dma_semaphore, #tpu.memory_space<semaphore_mem>>, %arg16: memref<!tpu.dma_semaphore, #tpu.memory_space<semaphore_mem>>, %arg17: memref<!tpu.dma_semaphore, #tpu.memory_space<semaphore_mem>>, %arg18: memref<!tpu.dma_semaphore, #tpu.memory_space<semaphore_mem>>) attributes {dimension_semantics = [#tpu.dimension_semantics<core_parallel>, #tpu.dimension_semantics<subcore_parallel>], iteration_bounds = array<i64: 2, 16>, scalar_prefetch = 0 : i64, scratch_operands = 13 : i64, tpu.core_type = #tpu.core_type<sc_vector_subcore>, window_params = [{transform_indices = #map}, {transform_indices = #map}, {transform_indices = #map}, {transform_indices = #map}]} {
    %lt3A = arith.constant 15 : i32
    %lt3A_0 = arith.cmpi slt, %arg1, %lt3A : i32
    %convert_element_type3A = arith.extui %lt3A_0 : i1 to i32
    %cond3A = arith.constant 0 : i32
    %cond3A_1 = arith.cmpi ne, %convert_element_type3A, %cond3A : i32
    scf.if %cond3A_1 {
      %mul3A_406 = arith.constant 640 : i32
      %mul3A_407 = arith.muli %arg1, %mul3A_406 : i32
      %mul3A_408 = arith.constant 640 : i32
      %mul3A_409 = arith.muli %arg1, %mul3A_408 : i32
      "tpu.region"() ({
        %run_scoped3A_410 = tpu.sem_alloc : memref<!tpu.dma_semaphore, #tpu.memory_space<semaphore_mem>>
        %dma_start3A_411 = arith.constant 0 : i32
        %dma_start3A_412 = tpu.memref_slice %arg9[%mul3A_409, %dma_start3A_411] : memref<10240x128xbf16, #tpu.memory_space<vmem_shared>> -> memref<640x128xbf16, #tpu.memory_space<vmem_shared>>
        %dma_start3A_413 = arith.constant 0 : i32
        %dma_start3A_414 = tpu.memref_slice %arg4[%mul3A_407, %dma_start3A_413] : memref<10000x128xbf16, #tpu.memory_space<hbm>> -> memref<640x128xbf16, #tpu.memory_space<hbm>>
        tpu.enqueue_dma source(%dma_start3A_414 : memref<640x128xbf16, #tpu.memory_space<hbm>>) target(%dma_start3A_412 : memref<640x128xbf16, #tpu.memory_space<vmem_shared>>) target_semaphore(%run_scoped3A_410 : memref<!tpu.dma_semaphore, #tpu.memory_space<semaphore_mem>>)
        %dma_wait3A_415 = arith.constant 0 : i32
        %dma_wait3A_416 = tpu.memref_slice %arg9[%mul3A_409, %dma_wait3A_415] : memref<10240x128xbf16, #tpu.memory_space<vmem_shared>> -> memref<640x128xbf16, #tpu.memory_space<vmem_shared>>
        %dma_wait3A_417 = arith.constant 0 : i32
        %dma_wait3A_418 = tpu.memref_slice %arg4[%mul3A_407, %dma_wait3A_417] : memref<10000x128xbf16, #tpu.memory_space<hbm>> -> memref<640x128xbf16, #tpu.memory_space<hbm>>
        tpu.wait_dma2 semaphore(%run_scoped3A_410 : memref<!tpu.dma_semaphore, #tpu.memory_space<semaphore_mem>>) src(%dma_wait3A_418 : memref<640x128xbf16, #tpu.memory_space<hbm>>) dst(%dma_wait3A_416 : memref<640x128xbf16, #tpu.memory_space<vmem_shared>>)
        tpu.yield
      }) : () -> ()
    } else {
    }
    %eq3A = arith.constant 15 : i32
    %eq3A_2 = arith.cmpi eq, %arg1, %eq3A : i32
    %convert_element_type3A_3 = arith.extui %eq3A_2 : i1 to i32
    %cond3A_4 = arith.constant 0 : i32
    %cond3A_5 = arith.cmpi ne, %convert_element_type3A_3, %cond3A_4 : i32
    scf.if %cond3A_5 {
      "tpu.region"() ({
        %run_scoped3A_406 = tpu.sem_alloc : memref<!tpu.dma_semaphore, #tpu.memory_space<semaphore_mem>>
        %dma_start3A_407 = arith.constant 9600 : i32
        %dma_start3A_408 = arith.constant 0 : i32
        %dma_start3A_409 = tpu.memref_slice %arg9[%dma_start3A_407, %dma_start3A_408] : memref<10240x128xbf16, #tpu.memory_space<vmem_shared>> -> memref<400x128xbf16, #tpu.memory_space<vmem_shared>>
        %dma_start3A_410 = arith.constant 9600 : i32
        %dma_start3A_411 = arith.constant 0 : i32
        %dma_start3A_412 = tpu.memref_slice %arg4[%dma_start3A_410, %dma_start3A_411] : memref<10000x128xbf16, #tpu.memory_space<hbm>> -> memref<400x128xbf16, #tpu.memory_space<hbm>>
        tpu.enqueue_dma source(%dma_start3A_412 : memref<400x128xbf16, #tpu.memory_space<hbm>>) target(%dma_start3A_409 : memref<400x128xbf16, #tpu.memory_space<vmem_shared>>) target_semaphore(%run_scoped3A_406 : memref<!tpu.dma_semaphore, #tpu.memory_space<semaphore_mem>>)
        %dma_wait3A_413 = arith.constant 9600 : i32
        %dma_wait3A_414 = arith.constant 0 : i32
        %dma_wait3A_415 = tpu.memref_slice %arg9[%dma_wait3A_413, %dma_wait3A_414] : memref<10240x128xbf16, #tpu.memory_space<vmem_shared>> -> memref<400x128xbf16, #tpu.memory_space<vmem_shared>>
        %dma_wait3A_416 = arith.constant 9600 : i32
        %dma_wait3A_417 = arith.constant 0 : i32
        %dma_wait3A_418 = tpu.memref_slice %arg4[%dma_wait3A_416, %dma_wait3A_417] : memref<10000x128xbf16, #tpu.memory_space<hbm>> -> memref<400x128xbf16, #tpu.memory_space<hbm>>
        tpu.wait_dma2 semaphore(%run_scoped3A_406 : memref<!tpu.dma_semaphore, #tpu.memory_space<semaphore_mem>>) src(%dma_wait3A_418 : memref<400x128xbf16, #tpu.memory_space<hbm>>) dst(%dma_wait3A_415 : memref<400x128xbf16, #tpu.memory_space<vmem_shared>>)
        tpu.yield
      }) : () -> ()
    } else {
    }
    %scan3A = arith.constant 0 : i32
    %scan3A_6 = arith.constant 0 : i32
    %scan3A_7 = arith.constant 128 : i32
    %scan3A_8 = arith.addi %scan3A_6, %scan3A_7 : i32
    %scan3A_9 = arith.constant 1 : i32
    %scan3A_10 = scf.for %scan3A_406 = %scan3A_6 to %scan3A_8 step %scan3A_9 iter_args(%scan3A_407 = %scan3A) -> (i32)  : i32 {
      %scan3A_408 = arith.constant 0 : i32
      %scan3A_409 = arith.constant 0 : i32
      %scan3A_410 = arith.constant 4 : i32
      %scan3A_411 = arith.addi %scan3A_409, %scan3A_410 : i32
      %scan3A_412 = arith.constant 1 : i32
      %scan3A_413 = scf.for %scan3A_415 = %scan3A_409 to %scan3A_411 step %scan3A_412 iter_args(%scan3A_416 = %scan3A_408) -> (i32)  : i32 {
        %broadcast_in_dim3A = arith.constant 0.000000e+00 : bf16
        %broadcast_in_dim3A_417 = vector.broadcast %broadcast_in_dim3A : bf16 to vector<32xbf16>
        %mul3A_418 = arith.constant 32 : i32
        %mul3A_419 = arith.muli %scan3A_415, %mul3A_418 : i32
        %swap3A = arith.constant 0 : i32
        %swap3A_420 = arith.index_cast %swap3A : i32 to index
        %swap3A_421 = arith.index_cast %scan3A_406 : i32 to index
        %swap3A_422 = arith.index_cast %mul3A_419 : i32 to index
        %swap3A_423 = tpu.vector_load %arg8[%swap3A_420, %swap3A_421, %swap3A_422] {strides = array<i32>} : memref<3x128x128xbf16, #tpu.memory_space<vmem>>, vector<1x1x32xbf16>,
        %swap3A_424 = vector.shape_cast %swap3A_423 : vector<1x1x32xbf16> to vector<32xbf16>
        %swap3A_425 = vector.shape_cast %broadcast_in_dim3A_417 : vector<32xbf16> to vector<1x1x32xbf16>
        tpu.vector_store %arg8[%swap3A_420, %swap3A_421, %swap3A_422], %swap3A_425 {strides = array<i32>} : memref<3x128x128xbf16, #tpu.memory_space<vmem>>, vector<1x1x32xbf16>,
        %scan3A_426 = arith.constant 0 : i32
        scf.yield %scan3A_426 : i32
      }
      %scan3A_414 = arith.constant 4 : i32
      scf.yield %scan3A_413 : i32
    }
    %scan3A_11 = arith.constant 128 : i32
    %mul3A = arith.constant 5 : i32
    %mul3A_12 = arith.muli %arg1, %mul3A : i32
    %add3A = arith.constant 0 : i32
    %add3A_13 = arith.addi %mul3A_12, %add3A : i32
    %mul3A_14 = arith.constant 128 : i32
    %mul3A_15 = arith.muli %add3A_13, %mul3A_14 : i32
    %run_scoped3A = arith.constant 0 : i32
    "tpu.region"() ({
      %run_scoped3A_406 = tpu.sem_alloc : memref<!tpu.dma_semaphore, #tpu.memory_space<semaphore_mem>>
      %dma_start3A_407 = arith.constant 0 : i32
      %dma_start3A_408 = arith.constant 0 : i32
      %dma_start3A_409 = tpu.memref_slice %arg8[%run_scoped3A, %dma_start3A_407, %dma_start3A_408] : memref<3x128x128xbf16, #tpu.memory_space<vmem>> -> memref<1x128x128xbf16, #tpu.memory_space<vmem>>
      %dma_start3A_410 = tpu.memref_squeeze %dma_start3A_409 : memref<1x128x128xbf16, #tpu.memory_space<vmem>> -> memref<128x128xbf16, #tpu.memory_space<vmem>>
      %dma_start3A_411 = arith.constant 0 : i32
      %dma_start3A_412 = tpu.memref_slice %arg10[%mul3A_15, %dma_start3A_411] : memref<10240x128xbf16, #tpu.memory_space<vmem_shared>> -> memref<128x128xbf16, #tpu.memory_space<vmem_shared>>
      %dma_start3A_413 = arith.constant 0 : i32
      %dma_start3A_414 = tpu.memref_slice %arg10[%mul3A_15, %dma_start3A_413] : memref<10240x128xbf16, #tpu.memory_space<vmem_shared>> -> memref<128x128xbf16, #tpu.memory_space<vmem_shared>>
      %dma_start3A_415 = arith.constant 0 : i32
      %dma_start3A_416 = arith.constant 0 : i32
      %dma_start3A_417 = tpu.memref_slice %arg8[%run_scoped3A, %dma_start3A_415, %dma_start3A_416] : memref<3x128x128xbf16, #tpu.memory_space<vmem>> -> memref<1x128x128xbf16, #tpu.memory_space<vmem>>
      %dma_start3A_418 = tpu.memref_squeeze %dma_start3A_417 : memref<1x128x128xbf16, #tpu.memory_space<vmem>> -> memref<128x128xbf16, #tpu.memory_space<vmem>>
      tpu.enqueue_dma source(%dma_start3A_418 : memref<128x128xbf16, #tpu.memory_space<vmem>>) target(%dma_start3A_414 : memref<128x128xbf16, #tpu.memory_space<vmem_shared>>) target_semaphore(%run_scoped3A_406 : memref<!tpu.dma_semaphore, #tpu.memory_space<semaphore_mem>>)
      %dma_wait3A_419 = arith.constant 0 : i32
      %dma_wait3A_420 = arith.constant 0 : i32
      %dma_wait3A_421 = tpu.memref_slice %arg8[%run_scoped3A, %dma_wait3A_419, %dma_wait3A_420] : memref<3x128x128xbf16, #tpu.memory_space<vmem>> -> memref<1x128x128xbf16, #tpu.memory_space<vmem>>
      %dma_wait3A_422 = tpu.memref_squeeze %dma_wait3A_421 : memref<1x128x128xbf16, #tpu.memory_space<vmem>> -> memref<128x128xbf16, #tpu.memory_space<vmem>>
      %dma_wait3A_423 = arith.constant 0 : i32
      %dma_wait3A_424 = tpu.memref_slice %arg10[%mul3A_15, %dma_wait3A_423] : memref<10240x128xbf16, #tpu.memory_space<vmem_shared>> -> memref<128x128xbf16, #tpu.memory_space<vmem_shared>>
      %dma_wait3A_425 = arith.constant 0 : i32
      %dma_wait3A_426 = tpu.memref_slice %arg10[%mul3A_15, %dma_wait3A_425] : memref<10240x128xbf16, #tpu.memory_space<vmem_shared>> -> memref<128x128xbf16, #tpu.memory_space<vmem_shared>>
      %dma_wait3A_427 = arith.constant 0 : i32
      %dma_wait3A_428 = arith.constant 0 : i32
      %dma_wait3A_429 = tpu.memref_slice %arg8[%run_scoped3A, %dma_wait3A_427, %dma_wait3A_428] : memref<3x128x128xbf16, #tpu.memory_space<vmem>> -> memref<1x128x128xbf16, #tpu.memory_space<vmem>>
      %dma_wait3A_430 = tpu.memref_squeeze %dma_wait3A_429 : memref<1x128x128xbf16, #tpu.memory_space<vmem>> -> memref<128x128xbf16, #tpu.memory_space<vmem>>
      tpu.wait_dma2 semaphore(%run_scoped3A_406 : memref<!tpu.dma_semaphore, #tpu.memory_space<semaphore_mem>>) src(%dma_wait3A_430 : memref<128x128xbf16, #tpu.memory_space<vmem>>) dst(%dma_wait3A_426 : memref<128x128xbf16, #tpu.memory_space<vmem_shared>>)
      tpu.yield
    }) : () -> ()
    %mul3A_16 = arith.constant 5 : i32
    %mul3A_17 = arith.muli %arg1, %mul3A_16 : i32
    %add3A_18 = arith.constant 1 : i32
    %add3A_19 = arith.addi %mul3A_17, %add3A_18 : i32
    %mul3A_20 = arith.constant 128 : i32
    %mul3A_21 = arith.muli %add3A_19, %mul3A_20 : i32
    %run_scoped3A_22 = arith.constant 0 : i32
    "tpu.region"() ({
      %run_scoped3A_406 = tpu.sem_alloc : memref<!tpu.dma_semaphore, #tpu.memory_space<semaphore_mem>>
      %dma_start3A_407 = arith.constant 0 : i32
      %dma_start3A_408 = arith.constant 0 : i32
      %dma_start3A_409 = tpu.memref_slice %arg8[%run_scoped3A_22, %dma_start3A_407, %dma_start3A_408] : memref<3x128x128xbf16, #tpu.memory_space<vmem>> -> memref<1x128x128xbf16, #tpu.memory_space<vmem>>
      %dma_start3A_410 = tpu.memref_squeeze %dma_start3A_409 : memref<1x128x128xbf16, #tpu.memory_space<vmem>> -> memref<128x128xbf16, #tpu.memory_space<vmem>>
      %dma_start3A_411 = arith.constant 0 : i32
      %dma_start3A_412 = tpu.memref_slice %arg10[%mul3A_21, %dma_start3A_411] : memref<10240x128xbf16, #tpu.memory_space<vmem_shared>> -> memref<128x128xbf16, #tpu.memory_space<vmem_shared>>
      %dma_start3A_413 = arith.constant 0 : i32
      %dma_start3A_414 = tpu.memref_slice %arg10[%mul3A_21, %dma_start3A_413] : memref<10240x128xbf16, #tpu.memory_space<vmem_shared>> -> memref<128x128xbf16, #tpu.memory_space<vmem_shared>>
      %dma_start3A_415 = arith.constant 0 : i32
      %dma_start3A_416 = arith.constant 0 : i32
      %dma_start3A_417 = tpu.memref_slice %arg8[%run_scoped3A_22, %dma_start3A_415, %dma_start3A_416] : memref<3x128x128xbf16, #tpu.memory_space<vmem>> -> memref<1x128x128xbf16, #tpu.memory_space<vmem>>
      %dma_start3A_418 = tpu.memref_squeeze %dma_start3A_417 : memref<1x128x128xbf16, #tpu.memory_space<vmem>> -> memref<128x128xbf16, #tpu.memory_space<vmem>>
      tpu.enqueue_dma source(%dma_start3A_418 : memref<128x128xbf16, #tpu.memory_space<vmem>>) target(%dma_start3A_414 : memref<128x128xbf16, #tpu.memory_space<vmem_shared>>) target_semaphore(%run_scoped3A_406 : memref<!tpu.dma_semaphore, #tpu.memory_space<semaphore_mem>>)
      %dma_wait3A_419 = arith.constant 0 : i32
      %dma_wait3A_420 = arith.constant 0 : i32
      %dma_wait3A_421 = tpu.memref_slice %arg8[%run_scoped3A_22, %dma_wait3A_419, %dma_wait3A_420] : memref<3x128x128xbf16, #tpu.memory_space<vmem>> -> memref<1x128x128xbf16, #tpu.memory_space<vmem>>
      %dma_wait3A_422 = tpu.memref_squeeze %dma_wait3A_421 : memref<1x128x128xbf16, #tpu.memory_space<vmem>> -> memref<128x128xbf16, #tpu.memory_space<vmem>>
      %dma_wait3A_423 = arith.constant 0 : i32
      %dma_wait3A_424 = tpu.memref_slice %arg10[%mul3A_21, %dma_wait3A_423] : memref<10240x128xbf16, #tpu.memory_space<vmem_shared>> -> memref<128x128xbf16, #tpu.memory_space<vmem_shared>>
      %dma_wait3A_425 = arith.constant 0 : i32
      %dma_wait3A_426 = tpu.memref_slice %arg10[%mul3A_21, %dma_wait3A_425] : memref<10240x128xbf16, #tpu.memory_space<vmem_shared>> -> memref<128x128xbf16, #tpu.memory_space<vmem_shared>>
      %dma_wait3A_427 = arith.constant 0 : i32
      %dma_wait3A_428 = arith.constant 0 : i32
      %dma_wait3A_429 = tpu.memref_slice %arg8[%run_scoped3A_22, %dma_wait3A_427, %dma_wait3A_428] : memref<3x128x128xbf16, #tpu.memory_space<vmem>> -> memref<1x128x128xbf16, #tpu.memory_space<vmem>>
      %dma_wait3A_430 = tpu.memref_squeeze %dma_wait3A_429 : memref<1x128x128xbf16, #tpu.memory_space<vmem>> -> memref<128x128xbf16, #tpu.memory_space<vmem>>
      tpu.wait_dma2 semaphore(%run_scoped3A_406 : memref<!tpu.dma_semaphore, #tpu.memory_space<semaphore_mem>>) src(%dma_wait3A_430 : memref<128x128xbf16, #tpu.memory_space<vmem>>) dst(%dma_wait3A_426 : memref<128x128xbf16, #tpu.memory_space<vmem_shared>>)
      tpu.yield
    }) : () -> ()
    %mul3A_23 = arith.constant 5 : i32
    %mul3A_24 = arith.muli %arg1, %mul3A_23 : i32
    %add3A_25 = arith.constant 2 : i32
    %add3A_26 = arith.addi %mul3A_24, %add3A_25 : i32
    %mul3A_27 = arith.constant 128 : i32
    %mul3A_28 = arith.muli %add3A_26, %mul3A_27 : i32
    %run_scoped3A_29 = arith.constant 0 : i32
    "tpu.region"() ({
      %run_scoped3A_406 = tpu.sem_alloc : memref<!tpu.dma_semaphore, #tpu.memory_space<semaphore_mem>>
      %dma_start3A_407 = arith.constant 0 : i32
      %dma_start3A_408 = arith.constant 0 : i32
      %dma_start3A_409 = tpu.memref_slice %arg8[%run_scoped3A_29, %dma_start3A_407, %dma_start3A_408] : memref<3x128x128xbf16, #tpu.memory_space<vmem>> -> memref<1x128x128xbf16, #tpu.memory_space<vmem>>
      %dma_start3A_410 = tpu.memref_squeeze %dma_start3A_409 : memref<1x128x128xbf16, #tpu.memory_space<vmem>> -> memref<128x128xbf16, #tpu.memory_space<vmem>>
      %dma_start3A_411 = arith.constant 0 : i32
      %dma_start3A_412 = tpu.memref_slice %arg10[%mul3A_28, %dma_start3A_411] : memref<10240x128xbf16, #tpu.memory_space<vmem_shared>> -> memref<128x128xbf16, #tpu.memory_space<vmem_shared>>
      %dma_start3A_413 = arith.constant 0 : i32
      %dma_start3A_414 = tpu.memref_slice %arg10[%mul3A_28, %dma_start3A_413] : memref<10240x128xbf16, #tpu.memory_space<vmem_shared>> -> memref<128x128xbf16, #tpu.memory_space<vmem_shared>>
      %dma_start3A_415 = arith.constant 0 : i32
      %dma_start3A_416 = arith.constant 0 : i32
      %dma_start3A_417 = tpu.memref_slice %arg8[%run_scoped3A_29, %dma_start3A_415, %dma_start3A_416] : memref<3x128x128xbf16, #tpu.memory_space<vmem>> -> memref<1x128x128xbf16, #tpu.memory_space<vmem>>
      %dma_start3A_418 = tpu.memref_squeeze %dma_start3A_417 : memref<1x128x128xbf16, #tpu.memory_space<vmem>> -> memref<128x128xbf16, #tpu.memory_space<vmem>>
      tpu.enqueue_dma source(%dma_start3A_418 : memref<128x128xbf16, #tpu.memory_space<vmem>>) target(%dma_start3A_414 : memref<128x128xbf16, #tpu.memory_space<vmem_shared>>) target_semaphore(%run_scoped3A_406 : memref<!tpu.dma_semaphore, #tpu.memory_space<semaphore_mem>>)
      %dma_wait3A_419 = arith.constant 0 : i32
      %dma_wait3A_420 = arith.constant 0 : i32
      %dma_wait3A_421 = tpu.memref_slice %arg8[%run_scoped3A_29, %dma_wait3A_419, %dma_wait3A_420] : memref<3x128x128xbf16, #tpu.memory_space<vmem>> -> memref<1x128x128xbf16, #tpu.memory_space<vmem>>
      %dma_wait3A_422 = tpu.memref_squeeze %dma_wait3A_421 : memref<1x128x128xbf16, #tpu.memory_space<vmem>> -> memref<128x128xbf16, #tpu.memory_space<vmem>>
      %dma_wait3A_423 = arith.constant 0 : i32
      %dma_wait3A_424 = tpu.memref_slice %arg10[%mul3A_28, %dma_wait3A_423] : memref<10240x128xbf16, #tpu.memory_space<vmem_shared>> -> memref<128x128xbf16, #tpu.memory_space<vmem_shared>>
      %dma_wait3A_425 = arith.constant 0 : i32
      %dma_wait3A_426 = tpu.memref_slice %arg10[%mul3A_28, %dma_wait3A_425] : memref<10240x128xbf16, #tpu.memory_space<vmem_shared>> -> memref<128x128xbf16, #tpu.memory_space<vmem_shared>>
      %dma_wait3A_427 = arith.constant 0 : i32
      %dma_wait3A_428 = arith.constant 0 : i32
      %dma_wait3A_429 = tpu.memref_slice %arg8[%run_scoped3A_29, %dma_wait3A_427, %dma_wait3A_428] : memref<3x128x128xbf16, #tpu.memory_space<vmem>> -> memref<1x128x128xbf16, #tpu.memory_space<vmem>>
      %dma_wait3A_430 = tpu.memref_squeeze %dma_wait3A_429 : memref<1x128x128xbf16, #tpu.memory_space<vmem>> -> memref<128x128xbf16, #tpu.memory_space<vmem>>
      tpu.wait_dma2 semaphore(%run_scoped3A_406 : memref<!tpu.dma_semaphore, #tpu.memory_space<semaphore_mem>>) src(%dma_wait3A_430 : memref<128x128xbf16, #tpu.memory_space<vmem>>) dst(%dma_wait3A_426 : memref<128x128xbf16, #tpu.memory_space<vmem_shared>>)
      tpu.yield
    }) : () -> ()
    %mul3A_30 = arith.constant 5 : i32
    %mul3A_31 = arith.muli %arg1, %mul3A_30 : i32
    %add3A_32 = arith.constant 3 : i32
    %add3A_33 = arith.addi %mul3A_31, %add3A_32 : i32
    %mul3A_34 = arith.constant 128 : i32
    %mul3A_35 = arith.muli %add3A_33, %mul3A_34 : i32
    %run_scoped3A_36 = arith.constant 0 : i32
    "tpu.region"() ({
      %run_scoped3A_406 = tpu.sem_alloc : memref<!tpu.dma_semaphore, #tpu.memory_space<semaphore_mem>>
      %dma_start3A_407 = arith.constant 0 : i32
      %dma_start3A_408 = arith.constant 0 : i32
      %dma_start3A_409 = tpu.memref_slice %arg8[%run_scoped3A_36, %dma_start3A_407, %dma_start3A_408] : memref<3x128x128xbf16, #tpu.memory_space<vmem>> -> memref<1x128x128xbf16, #tpu.memory_space<vmem>>
      %dma_start3A_410 = tpu.memref_squeeze %dma_start3A_409 : memref<1x128x128xbf16, #tpu.memory_space<vmem>> -> memref<128x128xbf16, #tpu.memory_space<vmem>>
      %dma_start3A_411 = arith.constant 0 : i32
      %dma_start3A_412 = tpu.memref_slice %arg10[%mul3A_35, %dma_start3A_411] : memref<10240x128xbf16, #tpu.memory_space<vmem_shared>> -> memref<128x128xbf16, #tpu.memory_space<vmem_shared>>
      %dma_start3A_413 = arith.constant 0 : i32
      %dma_start3A_414 = tpu.memref_slice %arg10[%mul3A_35, %dma_start3A_413] : memref<10240x128xbf16, #tpu.memory_space<vmem_shared>> -> memref<128x128xbf16, #tpu.memory_space<vmem_shared>>
      %dma_start3A_415 = arith.constant 0 : i32
      %dma_start3A_416 = arith.constant 0 : i32
      %dma_start3A_417 = tpu.memref_slice %arg8[%run_scoped3A_36, %dma_start3A_415, %dma_start3A_416] : memref<3x128x128xbf16, #tpu.memory_space<vmem>> -> memref<1x128x128xbf16, #tpu.memory_space<vmem>>
      %dma_start3A_418 = tpu.memref_squeeze %dma_start3A_417 : memref<1x128x128xbf16, #tpu.memory_space<vmem>> -> memref<128x128xbf16, #tpu.memory_space<vmem>>
      tpu.enqueue_dma source(%dma_start3A_418 : memref<128x128xbf16, #tpu.memory_space<vmem>>) target(%dma_start3A_414 : memref<128x128xbf16, #tpu.memory_space<vmem_shared>>) target_semaphore(%run_scoped3A_406 : memref<!tpu.dma_semaphore, #tpu.memory_space<semaphore_mem>>)
      %dma_wait3A_419 = arith.constant 0 : i32
      %dma_wait3A_420 = arith.constant 0 : i32
      %dma_wait3A_421 = tpu.memref_slice %arg8[%run_scoped3A_36, %dma_wait3A_419, %dma_wait3A_420] : memref<3x128x128xbf16, #tpu.memory_space<vmem>> -> memref<1x128x128xbf16, #tpu.memory_space<vmem>>
      %dma_wait3A_422 = tpu.memref_squeeze %dma_wait3A_421 : memref<1x128x128xbf16, #tpu.memory_space<vmem>> -> memref<128x128xbf16, #tpu.memory_space<vmem>>
      %dma_wait3A_423 = arith.constant 0 : i32
      %dma_wait3A_424 = tpu.memref_slice %arg10[%mul3A_35, %dma_wait3A_423] : memref<10240x128xbf16, #tpu.memory_space<vmem_shared>> -> memref<128x128xbf16, #tpu.memory_space<vmem_shared>>
      %dma_wait3A_425 = arith.constant 0 : i32
      %dma_wait3A_426 = tpu.memref_slice %arg10[%mul3A_35, %dma_wait3A_425] : memref<10240x128xbf16, #tpu.memory_space<vmem_shared>> -> memref<128x128xbf16, #tpu.memory_space<vmem_shared>>
      %dma_wait3A_427 = arith.constant 0 : i32
      %dma_wait3A_428 = arith.constant 0 : i32
      %dma_wait3A_429 = tpu.memref_slice %arg8[%run_scoped3A_36, %dma_wait3A_427, %dma_wait3A_428] : memref<3x128x128xbf16, #tpu.memory_space<vmem>> -> memref<1x128x128xbf16, #tpu.memory_space<vmem>>
      %dma_wait3A_430 = tpu.memref_squeeze %dma_wait3A_429 : memref<1x128x128xbf16, #tpu.memory_space<vmem>> -> memref<128x128xbf16, #tpu.memory_space<vmem>>
      tpu.wait_dma2 semaphore(%run_scoped3A_406 : memref<!tpu.dma_semaphore, #tpu.memory_space<semaphore_mem>>) src(%dma_wait3A_430 : memref<128x128xbf16, #tpu.memory_space<vmem>>) dst(%dma_wait3A_426 : memref<128x128xbf16, #tpu.memory_space<vmem_shared>>)
      tpu.yield
    }) : () -> ()
    %mul3A_37 = arith.constant 5 : i32
    %mul3A_38 = arith.muli %arg1, %mul3A_37 : i32
    %add3A_39 = arith.constant 4 : i32
    %add3A_40 = arith.addi %mul3A_38, %add3A_39 : i32
    %mul3A_41 = arith.constant 128 : i32
    %mul3A_42 = arith.muli %add3A_40, %mul3A_41 : i32
    %run_scoped3A_43 = arith.constant 0 : i32
    "tpu.region"() ({
      %run_scoped3A_406 = tpu.sem_alloc : memref<!tpu.dma_semaphore, #tpu.memory_space<semaphore_mem>>
      %dma_start3A_407 = arith.constant 0 : i32
      %dma_start3A_408 = arith.constant 0 : i32
      %dma_start3A_409 = tpu.memref_slice %arg8[%run_scoped3A_43, %dma_start3A_407, %dma_start3A_408] : memref<3x128x128xbf16, #tpu.memory_space<vmem>> -> memref<1x128x128xbf16, #tpu.memory_space<vmem>>
      %dma_start3A_410 = tpu.memref_squeeze %dma_start3A_409 : memref<1x128x128xbf16, #tpu.memory_space<vmem>> -> memref<128x128xbf16, #tpu.memory_space<vmem>>
      %dma_start3A_411 = arith.constant 0 : i32
      %dma_start3A_412 = tpu.memref_slice %arg10[%mul3A_42, %dma_start3A_411] : memref<10240x128xbf16, #tpu.memory_space<vmem_shared>> -> memref<128x128xbf16, #tpu.memory_space<vmem_shared>>
      %dma_start3A_413 = arith.constant 0 : i32
      %dma_start3A_414 = tpu.memref_slice %arg10[%mul3A_42, %dma_start3A_413] : memref<10240x128xbf16, #tpu.memory_space<vmem_shared>> -> memref<128x128xbf16, #tpu.memory_space<vmem_shared>>
      %dma_start3A_415 = arith.constant 0 : i32
      %dma_start3A_416 = arith.constant 0 : i32
      %dma_start3A_417 = tpu.memref_slice %arg8[%run_scoped3A_43, %dma_start3A_415, %dma_start3A_416] : memref<3x128x128xbf16, #tpu.memory_space<vmem>> -> memref<1x128x128xbf16, #tpu.memory_space<vmem>>
      %dma_start3A_418 = tpu.memref_squeeze %dma_start3A_417 : memref<1x128x128xbf16, #tpu.memory_space<vmem>> -> memref<128x128xbf16, #tpu.memory_space<vmem>>
      tpu.enqueue_dma source(%dma_start3A_418 : memref<128x128xbf16, #tpu.memory_space<vmem>>) target(%dma_start3A_414 : memref<128x128xbf16, #tpu.memory_space<vmem_shared>>) target_semaphore(%run_scoped3A_406 : memref<!tpu.dma_semaphore, #tpu.memory_space<semaphore_mem>>)
      %dma_wait3A_419 = arith.constant 0 : i32
      %dma_wait3A_420 = arith.constant 0 : i32
      %dma_wait3A_421 = tpu.memref_slice %arg8[%run_scoped3A_43, %dma_wait3A_419, %dma_wait3A_420] : memref<3x128x128xbf16, #tpu.memory_space<vmem>> -> memref<1x128x128xbf16, #tpu.memory_space<vmem>>
      %dma_wait3A_422 = tpu.memref_squeeze %dma_wait3A_421 : memref<1x128x128xbf16, #tpu.memory_space<vmem>> -> memref<128x128xbf16, #tpu.memory_space<vmem>>
      %dma_wait3A_423 = arith.constant 0 : i32
      %dma_wait3A_424 = tpu.memref_slice %arg10[%mul3A_42, %dma_wait3A_423] : memref<10240x128xbf16, #tpu.memory_space<vmem_shared>> -> memref<128x128xbf16, #tpu.memory_space<vmem_shared>>
      %dma_wait3A_425 = arith.constant 0 : i32
      %dma_wait3A_426 = tpu.memref_slice %arg10[%mul3A_42, %dma_wait3A_425] : memref<10240x128xbf16, #tpu.memory_space<vmem_shared>> -> memref<128x128xbf16, #tpu.memory_space<vmem_shared>>
      %dma_wait3A_427 = arith.constant 0 : i32
      %dma_wait3A_428 = arith.constant 0 : i32
      %dma_wait3A_429 = tpu.memref_slice %arg8[%run_scoped3A_43, %dma_wait3A_427, %dma_wait3A_428] : memref<3x128x128xbf16, #tpu.memory_space<vmem>> -> memref<1x128x128xbf16, #tpu.memory_space<vmem>>
      %dma_wait3A_430 = tpu.memref_squeeze %dma_wait3A_429 : memref<1x128x128xbf16, #tpu.memory_space<vmem>> -> memref<128x128xbf16, #tpu.memory_space<vmem>>
      tpu.wait_dma2 semaphore(%run_scoped3A_406 : memref<!tpu.dma_semaphore, #tpu.memory_space<semaphore_mem>>) src(%dma_wait3A_430 : memref<128x128xbf16, #tpu.memory_space<vmem>>) dst(%dma_wait3A_426 : memref<128x128xbf16, #tpu.memory_space<vmem_shared>>)
      tpu.yield
    }) : () -> ()
    %barrier3A = arith.constant 0 : index
    tpu.barrier barrier_id(%barrier3A)
    %mul3A_44 = arith.constant 1250 : i32
    %mul3A_45 = arith.muli %arg0, %mul3A_44 : i32
    %mul3A_46 = arith.constant 78 : i32
    %mul3A_47 = arith.muli %arg1, %mul3A_46 : i32
    %add3A_48 = arith.addi %mul3A_45, %mul3A_47 : i32
    %add3A_49 = arith.constant 0 : i32
    %add3A_50 = arith.addi %add3A_48, %add3A_49 : i32
    %min3A = arith.constant 2497 : i32
    %min3A_51 = arith.minsi %add3A_50, %min3A : i32
    %dma_start3A = arith.constant 0 : i32
    %dma_start3A_52 = arith.constant 0 : i32
    %dma_start3A_53 = arith.constant 0 : i32
    %dma_start3A_54 = tpu.memref_slice %arg6[%dma_start3A, %dma_start3A_52, %dma_start3A_53] : memref<2x3x128xi32, #tpu.memory_space<vmem>> -> memref<1x3x128xi32, #tpu.memory_space<vmem>>
    %dma_start3A_55 = tpu.memref_squeeze %dma_start3A_54 : memref<1x3x128xi32, #tpu.memory_space<vmem>> -> memref<3x128xi32, #tpu.memory_space<vmem>>
    %dma_start3A_56 = arith.constant 0 : i32
    %dma_start3A_57 = tpu.memref_slice %arg2[%min3A_51, %dma_start3A_56] : memref<2500x128xi32, #tpu.memory_space<hbm>> -> memref<3x128xi32, #tpu.memory_space<hbm>>
    %dma_start3A_58 = arith.constant 0 : i32
    %dma_start3A_59 = arith.constant 0 : i32
    %dma_start3A_60 = tpu.memref_slice %arg6[%dma_start3A, %dma_start3A_58, %dma_start3A_59] : memref<2x3x128xi32, #tpu.memory_space<vmem>> -> memref<1x3x128xi32, #tpu.memory_space<vmem>>
    %dma_start3A_61 = tpu.memref_squeeze %dma_start3A_60 : memref<1x3x128xi32, #tpu.memory_space<vmem>> -> memref<3x128xi32, #tpu.memory_space<vmem>>
    %dma_start3A_62 = arith.constant 0 : i32
    %dma_start3A_63 = tpu.memref_slice %arg2[%min3A_51, %dma_start3A_62] : memref<2500x128xi32, #tpu.memory_space<hbm>> -> memref<3x128xi32, #tpu.memory_space<hbm>>
    tpu.enqueue_dma source(%dma_start3A_63 : memref<3x128xi32, #tpu.memory_space<hbm>>) target(%dma_start3A_61 : memref<3x128xi32, #tpu.memory_space<vmem>>) target_semaphore(%arg17 : memref<!tpu.dma_semaphore, #tpu.memory_space<semaphore_mem>>)
    %add3A_64 = arith.constant 0 : i32
    %add3A_65 = arith.addi %add3A_48, %add3A_64 : i32
    %min3A_66 = arith.constant 2497 : i32
    %min3A_67 = arith.minsi %add3A_65, %min3A_66 : i32
    %dma_start3A_68 = arith.constant 0 : i32
    %dma_start3A_69 = arith.constant 0 : i32
    %dma_start3A_70 = arith.constant 0 : i32
    %dma_start3A_71 = tpu.memref_slice %arg7[%dma_start3A_68, %dma_start3A_69, %dma_start3A_70] : memref<2x3x128xi32, #tpu.memory_space<vmem>> -> memref<1x3x128xi32, #tpu.memory_space<vmem>>
    %dma_start3A_72 = tpu.memref_squeeze %dma_start3A_71 : memref<1x3x128xi32, #tpu.memory_space<vmem>> -> memref<3x128xi32, #tpu.memory_space<vmem>>
    %dma_start3A_73 = arith.constant 0 : i32
    %dma_start3A_74 = tpu.memref_slice %arg3[%min3A_67, %dma_start3A_73] : memref<2500x128xi32, #tpu.memory_space<hbm>> -> memref<3x128xi32, #tpu.memory_space<hbm>>
    %dma_start3A_75 = arith.constant 0 : i32
    %dma_start3A_76 = arith.constant 0 : i32
    %dma_start3A_77 = tpu.memref_slice %arg7[%dma_start3A_68, %dma_start3A_75, %dma_start3A_76] : memref<2x3x128xi32, #tpu.memory_space<vmem>> -> memref<1x3x128xi32, #tpu.memory_space<vmem>>
    %dma_start3A_78 = tpu.memref_squeeze %dma_start3A_77 : memref<1x3x128xi32, #tpu.memory_space<vmem>> -> memref<3x128xi32, #tpu.memory_space<vmem>>
    %dma_start3A_79 = arith.constant 0 : i32
    %dma_start3A_80 = tpu.memref_slice %arg3[%min3A_67, %dma_start3A_79] : memref<2500x128xi32, #tpu.memory_space<hbm>> -> memref<3x128xi32, #tpu.memory_space<hbm>>
    tpu.enqueue_dma source(%dma_start3A_80 : memref<3x128xi32, #tpu.memory_space<hbm>>) target(%dma_start3A_78 : memref<3x128xi32, #tpu.memory_space<vmem>>) target_semaphore(%arg18 : memref<!tpu.dma_semaphore, #tpu.memory_space<semaphore_mem>>)
    %add3A_81 = arith.constant 0 : i32
    %add3A_82 = arith.addi %add3A_48, %add3A_81 : i32
    %min3A_83 = arith.constant 2497 : i32
    %min3A_84 = arith.minsi %add3A_82, %min3A_83 : i32
    %dma_wait3A = arith.constant 0 : i32
    %dma_wait3A_85 = arith.constant 0 : i32
    %dma_wait3A_86 = arith.constant 0 : i32
    %dma_wait3A_87 = tpu.memref_slice %arg6[%dma_wait3A, %dma_wait3A_85, %dma_wait3A_86] : memref<2x3x128xi32, #tpu.memory_space<vmem>> -> memref<1x3x128xi32, #tpu.memory_space<vmem>>
    %dma_wait3A_88 = tpu.memref_squeeze %dma_wait3A_87 : memref<1x3x128xi32, #tpu.memory_space<vmem>> -> memref<3x128xi32, #tpu.memory_space<vmem>>
    %dma_wait3A_89 = arith.constant 0 : i32
    %dma_wait3A_90 = tpu.memref_slice %arg2[%min3A_84, %dma_wait3A_89] : memref<2500x128xi32, #tpu.memory_space<hbm>> -> memref<3x128xi32, #tpu.memory_space<hbm>>
    %dma_wait3A_91 = arith.constant 0 : i32
    %dma_wait3A_92 = arith.constant 0 : i32
    %dma_wait3A_93 = tpu.memref_slice %arg6[%dma_wait3A, %dma_wait3A_91, %dma_wait3A_92] : memref<2x3x128xi32, #tpu.memory_space<vmem>> -> memref<1x3x128xi32, #tpu.memory_space<vmem>>
    %dma_wait3A_94 = tpu.memref_squeeze %dma_wait3A_93 : memref<1x3x128xi32, #tpu.memory_space<vmem>> -> memref<3x128xi32, #tpu.memory_space<vmem>>
    %dma_wait3A_95 = arith.constant 0 : i32
    %dma_wait3A_96 = tpu.memref_slice %arg2[%min3A_84, %dma_wait3A_95] : memref<2500x128xi32, #tpu.memory_space<hbm>> -> memref<3x128xi32, #tpu.memory_space<hbm>>
    tpu.wait_dma2 semaphore(%arg17 : memref<!tpu.dma_semaphore, #tpu.memory_space<semaphore_mem>>) src(%dma_wait3A_96 : memref<3x128xi32, #tpu.memory_space<hbm>>) dst(%dma_wait3A_94 : memref<3x128xi32, #tpu.memory_space<vmem>>)
    %add3A_97 = arith.constant 0 : i32
    %add3A_98 = arith.addi %add3A_48, %add3A_97 : i32
    %min3A_99 = arith.constant 2497 : i32
    %min3A_100 = arith.minsi %add3A_98, %min3A_99 : i32
    %dma_wait3A_101 = arith.constant 0 : i32
    %dma_wait3A_102 = arith.constant 0 : i32
    %dma_wait3A_103 = arith.constant 0 : i32
    %dma_wait3A_104 = tpu.memref_slice %arg7[%dma_wait3A_101, %dma_wait3A_102, %dma_wait3A_103] : memref<2x3x128xi32, #tpu.memory_space<vmem>> -> memref<1x3x128xi32, #tpu.memory_space<vmem>>
    %dma_wait3A_105 = tpu.memref_squeeze %dma_wait3A_104 : memref<1x3x128xi32, #tpu.memory_space<vmem>> -> memref<3x128xi32, #tpu.memory_space<vmem>>
    %dma_wait3A_106 = arith.constant 0 : i32
    %dma_wait3A_107 = tpu.memref_slice %arg3[%min3A_100, %dma_wait3A_106] : memref<2500x128xi32, #tpu.memory_space<hbm>> -> memref<3x128xi32, #tpu.memory_space<hbm>>
    %dma_wait3A_108 = arith.constant 0 : i32
    %dma_wait3A_109 = arith.constant 0 : i32
    %dma_wait3A_110 = tpu.memref_slice %arg7[%dma_wait3A_101, %dma_wait3A_108, %dma_wait3A_109] : memref<2x3x128xi32, #tpu.memory_space<vmem>> -> memref<1x3x128xi32, #tpu.memory_space<vmem>>
    %dma_wait3A_111 = tpu.memref_squeeze %dma_wait3A_110 : memref<1x3x128xi32, #tpu.memory_space<vmem>> -> memref<3x128xi32, #tpu.memory_space<vmem>>
    %dma_wait3A_112 = arith.constant 0 : i32
    %dma_wait3A_113 = tpu.memref_slice %arg3[%min3A_100, %dma_wait3A_112] : memref<2500x128xi32, #tpu.memory_space<hbm>> -> memref<3x128xi32, #tpu.memory_space<hbm>>
    tpu.wait_dma2 semaphore(%arg18 : memref<!tpu.dma_semaphore, #tpu.memory_space<semaphore_mem>>) src(%dma_wait3A_113 : memref<3x128xi32, #tpu.memory_space<hbm>>) dst(%dma_wait3A_111 : memref<3x128xi32, #tpu.memory_space<vmem>>)
    %add3A_114 = arith.constant 3 : i32
    %add3A_115 = arith.addi %add3A_48, %add3A_114 : i32
    %min3A_116 = arith.constant 2497 : i32
    %min3A_117 = arith.minsi %add3A_115, %min3A_116 : i32
    %dma_start3A_118 = arith.constant 1 : i32
    %dma_start3A_119 = arith.constant 0 : i32
    %dma_start3A_120 = arith.constant 0 : i32
    %dma_start3A_121 = tpu.memref_slice %arg6[%dma_start3A_118, %dma_start3A_119, %dma_start3A_120] : memref<2x3x128xi32, #tpu.memory_space<vmem>> -> memref<1x3x128xi32, #tpu.memory_space<vmem>>
    %dma_start3A_122 = tpu.memref_squeeze %dma_start3A_121 : memref<1x3x128xi32, #tpu.memory_space<vmem>> -> memref<3x128xi32, #tpu.memory_space<vmem>>
    %dma_start3A_123 = arith.constant 0 : i32
    %dma_start3A_124 = tpu.memref_slice %arg2[%min3A_117, %dma_start3A_123] : memref<2500x128xi32, #tpu.memory_space<hbm>> -> memref<3x128xi32, #tpu.memory_space<hbm>>
    %dma_start3A_125 = arith.constant 0 : i32
    %dma_start3A_126 = arith.constant 0 : i32
    %dma_start3A_127 = tpu.memref_slice %arg6[%dma_start3A_118, %dma_start3A_125, %dma_start3A_126] : memref<2x3x128xi32, #tpu.memory_space<vmem>> -> memref<1x3x128xi32, #tpu.memory_space<vmem>>
    %dma_start3A_128 = tpu.memref_squeeze %dma_start3A_127 : memref<1x3x128xi32, #tpu.memory_space<vmem>> -> memref<3x128xi32, #tpu.memory_space<vmem>>
    %dma_start3A_129 = arith.constant 0 : i32
    %dma_start3A_130 = tpu.memref_slice %arg2[%min3A_117, %dma_start3A_129] : memref<2500x128xi32, #tpu.memory_space<hbm>> -> memref<3x128xi32, #tpu.memory_space<hbm>>
    tpu.enqueue_dma source(%dma_start3A_130 : memref<3x128xi32, #tpu.memory_space<hbm>>) target(%dma_start3A_128 : memref<3x128xi32, #tpu.memory_space<vmem>>) target_semaphore(%arg17 : memref<!tpu.dma_semaphore, #tpu.memory_space<semaphore_mem>>)
    %add3A_131 = arith.constant 3 : i32
    %add3A_132 = arith.addi %add3A_48, %add3A_131 : i32
    %min3A_133 = arith.constant 2497 : i32
    %min3A_134 = arith.minsi %add3A_132, %min3A_133 : i32
    %dma_start3A_135 = arith.constant 1 : i32
    %dma_start3A_136 = arith.constant 0 : i32
    %dma_start3A_137 = arith.constant 0 : i32
    %dma_start3A_138 = tpu.memref_slice %arg7[%dma_start3A_135, %dma_start3A_136, %dma_start3A_137] : memref<2x3x128xi32, #tpu.memory_space<vmem>> -> memref<1x3x128xi32, #tpu.memory_space<vmem>>
    %dma_start3A_139 = tpu.memref_squeeze %dma_start3A_138 : memref<1x3x128xi32, #tpu.memory_space<vmem>> -> memref<3x128xi32, #tpu.memory_space<vmem>>
    %dma_start3A_140 = arith.constant 0 : i32
    %dma_start3A_141 = tpu.memref_slice %arg3[%min3A_134, %dma_start3A_140] : memref<2500x128xi32, #tpu.memory_space<hbm>> -> memref<3x128xi32, #tpu.memory_space<hbm>>
    %dma_start3A_142 = arith.constant 0 : i32
    %dma_start3A_143 = arith.constant 0 : i32
    %dma_start3A_144 = tpu.memref_slice %arg7[%dma_start3A_135, %dma_start3A_142, %dma_start3A_143] : memref<2x3x128xi32, #tpu.memory_space<vmem>> -> memref<1x3x128xi32, #tpu.memory_space<vmem>>
    %dma_start3A_145 = tpu.memref_squeeze %dma_start3A_144 : memref<1x3x128xi32, #tpu.memory_space<vmem>> -> memref<3x128xi32, #tpu.memory_space<vmem>>
    %dma_start3A_146 = arith.constant 0 : i32
    %dma_start3A_147 = tpu.memref_slice %arg3[%min3A_134, %dma_start3A_146] : memref<2500x128xi32, #tpu.memory_space<hbm>> -> memref<3x128xi32, #tpu.memory_space<hbm>>
    tpu.enqueue_dma source(%dma_start3A_147 : memref<3x128xi32, #tpu.memory_space<hbm>>) target(%dma_start3A_145 : memref<3x128xi32, #tpu.memory_space<vmem>>) target_semaphore(%arg18 : memref<!tpu.dma_semaphore, #tpu.memory_space<semaphore_mem>>)
    %dma_start3A_148 = arith.constant 0 : i32
    %dma_start3A_149 = arith.constant 0 : i32
    %dma_start3A_150 = arith.constant 0 : i32
    %dma_start3A_151 = arith.constant 0 : i32
    %dma_start3A_152 = arith.constant 0 : i32
    %dma_start3A_153 = tpu.memref_slice %arg8[%dma_start3A_150, %dma_start3A_151, %dma_start3A_152] : memref<3x128x128xbf16, #tpu.memory_space<vmem>> -> memref<1x128x128xbf16, #tpu.memory_space<vmem>>
    %dma_start3A_154 = tpu.memref_squeeze %dma_start3A_153 : memref<1x128x128xbf16, #tpu.memory_space<vmem>> -> memref<128x128xbf16, #tpu.memory_space<vmem>>
    %dma_start3A_155 = arith.constant 0 : i32
    %dma_start3A_156 = arith.constant 0 : i32
    %dma_start3A_157 = tpu.memref_slice %arg6[%dma_start3A_148, %dma_start3A_155, %dma_start3A_156] : memref<2x3x128xi32, #tpu.memory_space<vmem>> -> memref<1x3x128xi32, #tpu.memory_space<vmem>>
    %dma_start3A_158 = tpu.memref_squeeze %dma_start3A_157 : memref<1x3x128xi32, #tpu.memory_space<vmem>> -> memref<3x128xi32, #tpu.memory_space<vmem>>
    %dma_start3A_159 = arith.constant 0 : i32
    %dma_start3A_160 = tpu.memref_slice %dma_start3A_158[%dma_start3A_149, %dma_start3A_159] : memref<3x128xi32, #tpu.memory_space<vmem>> -> memref<1x128xi32, #tpu.memory_space<vmem>>
    %dma_start3A_161 = tpu.memref_squeeze %dma_start3A_160 : memref<1x128xi32, #tpu.memory_space<vmem>> -> memref<128xi32, #tpu.memory_space<vmem>>
    %dma_start3A_162 = arith.constant 0 : i32
    %dma_start3A_163 = arith.constant 0 : i32
    %dma_start3A_164 = tpu.memref_slice %arg9[%dma_start3A_162, %dma_start3A_163] : memref<10240x128xbf16, #tpu.memory_space<vmem_shared>> -> memref<10240x128xbf16, #tpu.memory_space<vmem_shared>>
    tpu.enqueue_indirect_dma source(%dma_start3A_164 : memref<10240x128xbf16, #tpu.memory_space<vmem_shared>>) target(%dma_start3A_154 : memref<128x128xbf16, #tpu.memory_space<vmem>>) offsets(%dma_start3A_161 : memref<128xi32, #tpu.memory_space<vmem>>) semaphore(%arg11 : memref<!tpu.dma_semaphore, #tpu.memory_space<semaphore_mem>>)
    %dma_start3A_165 = arith.constant 0 : i32
    %dma_start3A_166 = arith.constant 1 : i32
    %dma_start3A_167 = arith.constant 1 : i32
    %dma_start3A_168 = arith.constant 0 : i32
    %dma_start3A_169 = arith.constant 0 : i32
    %dma_start3A_170 = tpu.memref_slice %arg8[%dma_start3A_167, %dma_start3A_168, %dma_start3A_169] : memref<3x128x128xbf16, #tpu.memory_space<vmem>> -> memref<1x128x128xbf16, #tpu.memory_space<vmem>>
    %dma_start3A_171 = tpu.memref_squeeze %dma_start3A_170 : memref<1x128x128xbf16, #tpu.memory_space<vmem>> -> memref<128x128xbf16, #tpu.memory_space<vmem>>
    %dma_start3A_172 = arith.constant 0 : i32
    %dma_start3A_173 = arith.constant 0 : i32
    %dma_start3A_174 = tpu.memref_slice %arg6[%dma_start3A_165, %dma_start3A_172, %dma_start3A_173] : memref<2x3x128xi32, #tpu.memory_space<vmem>> -> memref<1x3x128xi32, #tpu.memory_space<vmem>>
    %dma_start3A_175 = tpu.memref_squeeze %dma_start3A_174 : memref<1x3x128xi32, #tpu.memory_space<vmem>> -> memref<3x128xi32, #tpu.memory_space<vmem>>
    %dma_start3A_176 = arith.constant 0 : i32
    %dma_start3A_177 = tpu.memref_slice %dma_start3A_175[%dma_start3A_166, %dma_start3A_176] : memref<3x128xi32, #tpu.memory_space<vmem>> -> memref<1x128xi32, #tpu.memory_space<vmem>>
    %dma_start3A_178 = tpu.memref_squeeze %dma_start3A_177 : memref<1x128xi32, #tpu.memory_space<vmem>> -> memref<128xi32, #tpu.memory_space<vmem>>
    %dma_start3A_179 = arith.constant 0 : i32
    %dma_start3A_180 = arith.constant 0 : i32
    %dma_start3A_181 = tpu.memref_slice %arg9[%dma_start3A_179, %dma_start3A_180] : memref<10240x128xbf16, #tpu.memory_space<vmem_shared>> -> memref<10240x128xbf16, #tpu.memory_space<vmem_shared>>
    tpu.enqueue_indirect_dma source(%dma_start3A_181 : memref<10240x128xbf16, #tpu.memory_space<vmem_shared>>) target(%dma_start3A_171 : memref<128x128xbf16, #tpu.memory_space<vmem>>) offsets(%dma_start3A_178 : memref<128xi32, #tpu.memory_space<vmem>>) semaphore(%arg12 : memref<!tpu.dma_semaphore, #tpu.memory_space<semaphore_mem>>)
    %dma_start3A_182 = arith.constant 0 : i32
    %dma_start3A_183 = arith.constant 2 : i32
    %dma_start3A_184 = arith.constant 2 : i32
    %dma_start3A_185 = arith.constant 0 : i32
    %dma_start3A_186 = arith.constant 0 : i32
    %dma_start3A_187 = tpu.memref_slice %arg8[%dma_start3A_184, %dma_start3A_185, %dma_start3A_186] : memref<3x128x128xbf16, #tpu.memory_space<vmem>> -> memref<1x128x128xbf16, #tpu.memory_space<vmem>>
    %dma_start3A_188 = tpu.memref_squeeze %dma_start3A_187 : memref<1x128x128xbf16, #tpu.memory_space<vmem>> -> memref<128x128xbf16, #tpu.memory_space<vmem>>
    %dma_start3A_189 = arith.constant 0 : i32
    %dma_start3A_190 = arith.constant 0 : i32
    %dma_start3A_191 = tpu.memref_slice %arg6[%dma_start3A_182, %dma_start3A_189, %dma_start3A_190] : memref<2x3x128xi32, #tpu.memory_space<vmem>> -> memref<1x3x128xi32, #tpu.memory_space<vmem>>
    %dma_start3A_192 = tpu.memref_squeeze %dma_start3A_191 : memref<1x3x128xi32, #tpu.memory_space<vmem>> -> memref<3x128xi32, #tpu.memory_space<vmem>>
    %dma_start3A_193 = arith.constant 0 : i32
    %dma_start3A_194 = tpu.memref_slice %dma_start3A_192[%dma_start3A_183, %dma_start3A_193] : memref<3x128xi32, #tpu.memory_space<vmem>> -> memref<1x128xi32, #tpu.memory_space<vmem>>
    %dma_start3A_195 = tpu.memref_squeeze %dma_start3A_194 : memref<1x128xi32, #tpu.memory_space<vmem>> -> memref<128xi32, #tpu.memory_space<vmem>>
    %dma_start3A_196 = arith.constant 0 : i32
    %dma_start3A_197 = arith.constant 0 : i32
    %dma_start3A_198 = tpu.memref_slice %arg9[%dma_start3A_196, %dma_start3A_197] : memref<10240x128xbf16, #tpu.memory_space<vmem_shared>> -> memref<10240x128xbf16, #tpu.memory_space<vmem_shared>>
    tpu.enqueue_indirect_dma source(%dma_start3A_198 : memref<10240x128xbf16, #tpu.memory_space<vmem_shared>>) target(%dma_start3A_188 : memref<128x128xbf16, #tpu.memory_space<vmem>>) offsets(%dma_start3A_195 : memref<128xi32, #tpu.memory_space<vmem>>) semaphore(%arg13 : memref<!tpu.dma_semaphore, #tpu.memory_space<semaphore_mem>>)
    %scan3A_199 = arith.constant 0 : i32
    %scan3A_200 = arith.constant 0 : i32
    %scan3A_201 = arith.constant 25 : i32
    %scan3A_202 = arith.addi %scan3A_200, %scan3A_201 : i32
    %scan3A_203 = arith.constant 1 : i32
    %scan3A_204 = scf.for %scan3A_406 = %scan3A_200 to %scan3A_202 step %scan3A_203 iter_args(%scan3A_407 = %scan3A_199) -> (i32)  : i32 {
      %rem3A = arith.constant 2 : i32
      %rem3A_408 = arith.remsi %scan3A_406, %rem3A : i32
      %sub3A = arith.constant 1 : i32
      %sub3A_409 = arith.subi %sub3A, %rem3A_408 : i32
      %dma_wait3A_410 = arith.constant 0 : i32
      %dma_wait3A_411 = arith.constant 0 : i32
      %dma_wait3A_412 = arith.constant 0 : i32
      %dma_wait3A_413 = arith.constant 0 : i32
      %dma_wait3A_414 = tpu.memref_slice %arg8[%dma_wait3A_411, %dma_wait3A_412, %dma_wait3A_413] : memref<3x128x128xbf16, #tpu.memory_space<vmem>> -> memref<1x128x128xbf16, #tpu.memory_space<vmem>>
      %dma_wait3A_415 = tpu.memref_squeeze %dma_wait3A_414 : memref<1x128x128xbf16, #tpu.memory_space<vmem>> -> memref<128x128xbf16, #tpu.memory_space<vmem>>
      %dma_wait3A_416 = arith.constant 0 : i32
      %dma_wait3A_417 = arith.constant 0 : i32
      %dma_wait3A_418 = tpu.memref_slice %arg6[%rem3A_408, %dma_wait3A_416, %dma_wait3A_417] : memref<2x3x128xi32, #tpu.memory_space<vmem>> -> memref<1x3x128xi32, #tpu.memory_space<vmem>>
      %dma_wait3A_419 = tpu.memref_squeeze %dma_wait3A_418 : memref<1x3x128xi32, #tpu.memory_space<vmem>> -> memref<3x128xi32, #tpu.memory_space<vmem>>
      %dma_wait3A_420 = arith.constant 0 : i32
      %dma_wait3A_421 = tpu.memref_slice %dma_wait3A_419[%dma_wait3A_410, %dma_wait3A_420] : memref<3x128xi32, #tpu.memory_space<vmem>> -> memref<1x128xi32, #tpu.memory_space<vmem>>
      %dma_wait3A_422 = tpu.memref_squeeze %dma_wait3A_421 : memref<1x128xi32, #tpu.memory_space<vmem>> -> memref<128xi32, #tpu.memory_space<vmem>>
      %dma_wait3A_423 = arith.constant 0 : i32
      %dma_wait3A_424 = arith.constant 0 : i32
      %dma_wait3A_425 = tpu.memref_slice %arg9[%dma_wait3A_423, %dma_wait3A_424] : memref<10240x128xbf16, #tpu.memory_space<vmem_shared>> -> memref<10240x128xbf16, #tpu.memory_space<vmem_shared>>
      tpu.wait_indirect_dma semaphore(%arg11 : memref<!tpu.dma_semaphore, #tpu.memory_space<semaphore_mem>>) src(%dma_wait3A_425 : memref<10240x128xbf16, #tpu.memory_space<vmem_shared>>) dst(%dma_wait3A_415 : memref<128x128xbf16, #tpu.memory_space<vmem>>)
      %dma_start3A_426 = arith.constant 0 : i32
      %dma_start3A_427 = arith.constant 0 : i32
      %dma_start3A_428 = arith.constant 0 : i32
      %dma_start3A_429 = arith.constant 0 : i32
      %dma_start3A_430 = tpu.memref_slice %arg8[%dma_start3A_426, %dma_start3A_428, %dma_start3A_429] : memref<3x128x128xbf16, #tpu.memory_space<vmem>> -> memref<1x128x128xbf16, #tpu.memory_space<vmem>>
      %dma_start3A_431 = tpu.memref_squeeze %dma_start3A_430 : memref<1x128x128xbf16, #tpu.memory_space<vmem>> -> memref<128x128xbf16, #tpu.memory_space<vmem>>
      %dma_start3A_432 = arith.constant 0 : i32
      %dma_start3A_433 = arith.constant 0 : i32
      %dma_start3A_434 = tpu.memref_slice %arg7[%rem3A_408, %dma_start3A_432, %dma_start3A_433] : memref<2x3x128xi32, #tpu.memory_space<vmem>> -> memref<1x3x128xi32, #tpu.memory_space<vmem>>
      %dma_start3A_435 = tpu.memref_squeeze %dma_start3A_434 : memref<1x3x128xi32, #tpu.memory_space<vmem>> -> memref<3x128xi32, #tpu.memory_space<vmem>>
      %dma_start3A_436 = arith.constant 0 : i32
      %dma_start3A_437 = tpu.memref_slice %dma_start3A_435[%dma_start3A_427, %dma_start3A_436] : memref<3x128xi32, #tpu.memory_space<vmem>> -> memref<1x128xi32, #tpu.memory_space<vmem>>
      %dma_start3A_438 = tpu.memref_squeeze %dma_start3A_437 : memref<1x128xi32, #tpu.memory_space<vmem>> -> memref<128xi32, #tpu.memory_space<vmem>>
      %dma_start3A_439 = arith.constant 0 : i32
      %dma_start3A_440 = arith.constant 0 : i32
      %dma_start3A_441 = tpu.memref_slice %arg10[%dma_start3A_439, %dma_start3A_440] : memref<10240x128xbf16, #tpu.memory_space<vmem_shared>> -> memref<10240x128xbf16, #tpu.memory_space<vmem_shared>>
      tpu.enqueue_indirect_dma source(%dma_start3A_431 : memref<128x128xbf16, #tpu.memory_space<vmem>>) target(%dma_start3A_441 : memref<10240x128xbf16, #tpu.memory_space<vmem_shared>>) offsets(%dma_start3A_438 : memref<128xi32, #tpu.memory_space<vmem>>) semaphore(%arg14 : memref<!tpu.dma_semaphore, #tpu.memory_space<semaphore_mem>>) {add = true}
      %dma_wait3A_442 = arith.constant 1 : i32
      %dma_wait3A_443 = arith.constant 1 : i32
      %dma_wait3A_444 = arith.constant 0 : i32
      %dma_wait3A_445 = arith.constant 0 : i32
      %dma_wait3A_446 = tpu.memref_slice %arg8[%dma_wait3A_443, %dma_wait3A_444, %dma_wait3A_445] : memref<3x128x128xbf16, #tpu.memory_space<vmem>> -> memref<1x128x128xbf16, #tpu.memory_space<vmem>>
      %dma_wait3A_447 = tpu.memref_squeeze %dma_wait3A_446 : memref<1x128x128xbf16, #tpu.memory_space<vmem>> -> memref<128x128xbf16, #tpu.memory_space<vmem>>
      %dma_wait3A_448 = arith.constant 0 : i32
      %dma_wait3A_449 = arith.constant 0 : i32
      %dma_wait3A_450 = tpu.memref_slice %arg6[%rem3A_408, %dma_wait3A_448, %dma_wait3A_449] : memref<2x3x128xi32, #tpu.memory_space<vmem>> -> memref<1x3x128xi32, #tpu.memory_space<vmem>>
      %dma_wait3A_451 = tpu.memref_squeeze %dma_wait3A_450 : memref<1x3x128xi32, #tpu.memory_space<vmem>> -> memref<3x128xi32, #tpu.memory_space<vmem>>
      %dma_wait3A_452 = arith.constant 0 : i32
      %dma_wait3A_453 = tpu.memref_slice %dma_wait3A_451[%dma_wait3A_442, %dma_wait3A_452] : memref<3x128xi32, #tpu.memory_space<vmem>> -> memref<1x128xi32, #tpu.memory_space<vmem>>
      %dma_wait3A_454 = tpu.memref_squeeze %dma_wait3A_453 : memref<1x128xi32, #tpu.memory_space<vmem>> -> memref<128xi32, #tpu.memory_space<vmem>>
      %dma_wait3A_455 = arith.constant 0 : i32
      %dma_wait3A_456 = arith.constant 0 : i32
      %dma_wait3A_457 = tpu.memref_slice %arg9[%dma_wait3A_455, %dma_wait3A_456] : memref<10240x128xbf16, #tpu.memory_space<vmem_shared>> -> memref<10240x128xbf16, #tpu.memory_space<vmem_shared>>
      tpu.wait_indirect_dma semaphore(%arg12 : memref<!tpu.dma_semaphore, #tpu.memory_space<semaphore_mem>>) src(%dma_wait3A_457 : memref<10240x128xbf16, #tpu.memory_space<vmem_shared>>) dst(%dma_wait3A_447 : memref<128x128xbf16, #tpu.memory_space<vmem>>)
      %dma_start3A_458 = arith.constant 1 : i32
      %dma_start3A_459 = arith.constant 1 : i32
      %dma_start3A_460 = arith.constant 0 : i32
      %dma_start3A_461 = arith.constant 0 : i32
      %dma_start3A_462 = tpu.memref_slice %arg8[%dma_start3A_458, %dma_start3A_460, %dma_start3A_461] : memref<3x128x128xbf16, #tpu.memory_space<vmem>> -> memref<1x128x128xbf16, #tpu.memory_space<vmem>>
      %dma_start3A_463 = tpu.memref_squeeze %dma_start3A_462 : memref<1x128x128xbf16, #tpu.memory_space<vmem>> -> memref<128x128xbf16, #tpu.memory_space<vmem>>
      %dma_start3A_464 = arith.constant 0 : i32
      %dma_start3A_465 = arith.constant 0 : i32
      %dma_start3A_466 = tpu.memref_slice %arg7[%rem3A_408, %dma_start3A_464, %dma_start3A_465] : memref<2x3x128xi32, #tpu.memory_space<vmem>> -> memref<1x3x128xi32, #tpu.memory_space<vmem>>
      %dma_start3A_467 = tpu.memref_squeeze %dma_start3A_466 : memref<1x3x128xi32, #tpu.memory_space<vmem>> -> memref<3x128xi32, #tpu.memory_space<vmem>>
      %dma_start3A_468 = arith.constant 0 : i32
      %dma_start3A_469 = tpu.memref_slice %dma_start3A_467[%dma_start3A_459, %dma_start3A_468] : memref<3x128xi32, #tpu.memory_space<vmem>> -> memref<1x128xi32, #tpu.memory_space<vmem>>
      %dma_start3A_470 = tpu.memref_squeeze %dma_start3A_469 : memref<1x128xi32, #tpu.memory_space<vmem>> -> memref<128xi32, #tpu.memory_space<vmem>>
      %dma_start3A_471 = arith.constant 0 : i32
      %dma_start3A_472 = arith.constant 0 : i32
      %dma_start3A_473 = tpu.memref_slice %arg10[%dma_start3A_471, %dma_start3A_472] : memref<10240x128xbf16, #tpu.memory_space<vmem_shared>> -> memref<10240x128xbf16, #tpu.memory_space<vmem_shared>>
      tpu.enqueue_indirect_dma source(%dma_start3A_463 : memref<128x128xbf16, #tpu.memory_space<vmem>>) target(%dma_start3A_473 : memref<10240x128xbf16, #tpu.memory_space<vmem_shared>>) offsets(%dma_start3A_470 : memref<128xi32, #tpu.memory_space<vmem>>) semaphore(%arg15 : memref<!tpu.dma_semaphore, #tpu.memory_space<semaphore_mem>>) {add = true}
      %dma_wait3A_474 = arith.constant 2 : i32
      %dma_wait3A_475 = arith.constant 2 : i32
      %dma_wait3A_476 = arith.constant 0 : i32
      %dma_wait3A_477 = arith.constant 0 : i32
      %dma_wait3A_478 = tpu.memref_slice %arg8[%dma_wait3A_475, %dma_wait3A_476, %dma_wait3A_477] : memref<3x128x128xbf16, #tpu.memory_space<vmem>> -> memref<1x128x128xbf16, #tpu.memory_space<vmem>>
      %dma_wait3A_479 = tpu.memref_squeeze %dma_wait3A_478 : memref<1x128x128xbf16, #tpu.memory_space<vmem>> -> memref<128x128xbf16, #tpu.memory_space<vmem>>
      %dma_wait3A_480 = arith.constant 0 : i32
      %dma_wait3A_481 = arith.constant 0 : i32
      %dma_wait3A_482 = tpu.memref_slice %arg6[%rem3A_408, %dma_wait3A_480, %dma_wait3A_481] : memref<2x3x128xi32, #tpu.memory_space<vmem>> -> memref<1x3x128xi32, #tpu.memory_space<vmem>>
      %dma_wait3A_483 = tpu.memref_squeeze %dma_wait3A_482 : memref<1x3x128xi32, #tpu.memory_space<vmem>> -> memref<3x128xi32, #tpu.memory_space<vmem>>
      %dma_wait3A_484 = arith.constant 0 : i32
      %dma_wait3A_485 = tpu.memref_slice %dma_wait3A_483[%dma_wait3A_474, %dma_wait3A_484] : memref<3x128xi32, #tpu.memory_space<vmem>> -> memref<1x128xi32, #tpu.memory_space<vmem>>
      %dma_wait3A_486 = tpu.memref_squeeze %dma_wait3A_485 : memref<1x128xi32, #tpu.memory_space<vmem>> -> memref<128xi32, #tpu.memory_space<vmem>>
      %dma_wait3A_487 = arith.constant 0 : i32
      %dma_wait3A_488 = arith.constant 0 : i32
      %dma_wait3A_489 = tpu.memref_slice %arg9[%dma_wait3A_487, %dma_wait3A_488] : memref<10240x128xbf16, #tpu.memory_space<vmem_shared>> -> memref<10240x128xbf16, #tpu.memory_space<vmem_shared>>
      tpu.wait_indirect_dma semaphore(%arg13 : memref<!tpu.dma_semaphore, #tpu.memory_space<semaphore_mem>>) src(%dma_wait3A_489 : memref<10240x128xbf16, #tpu.memory_space<vmem_shared>>) dst(%dma_wait3A_479 : memref<128x128xbf16, #tpu.memory_space<vmem>>)
      %dma_start3A_490 = arith.constant 2 : i32
      %dma_start3A_491 = arith.constant 2 : i32
      %dma_start3A_492 = arith.constant 0 : i32
      %dma_start3A_493 = arith.constant 0 : i32
      %dma_start3A_494 = tpu.memref_slice %arg8[%dma_start3A_490, %dma_start3A_492, %dma_start3A_493] : memref<3x128x128xbf16, #tpu.memory_space<vmem>> -> memref<1x128x128xbf16, #tpu.memory_space<vmem>>
      %dma_start3A_495 = tpu.memref_squeeze %dma_start3A_494 : memref<1x128x128xbf16, #tpu.memory_space<vmem>> -> memref<128x128xbf16, #tpu.memory_space<vmem>>
      %dma_start3A_496 = arith.constant 0 : i32
      %dma_start3A_497 = arith.constant 0 : i32
      %dma_start3A_498 = tpu.memref_slice %arg7[%rem3A_408, %dma_start3A_496, %dma_start3A_497] : memref<2x3x128xi32, #tpu.memory_space<vmem>> -> memref<1x3x128xi32, #tpu.memory_space<vmem>>
      %dma_start3A_499 = tpu.memref_squeeze %dma_start3A_498 : memref<1x3x128xi32, #tpu.memory_space<vmem>> -> memref<3x128xi32, #tpu.memory_space<vmem>>
      %dma_start3A_500 = arith.constant 0 : i32
      %dma_start3A_501 = tpu.memref_slice %dma_start3A_499[%dma_start3A_491, %dma_start3A_500] : memref<3x128xi32, #tpu.memory_space<vmem>> -> memref<1x128xi32, #tpu.memory_space<vmem>>
      %dma_start3A_502 = tpu.memref_squeeze %dma_start3A_501 : memref<1x128xi32, #tpu.memory_space<vmem>> -> memref<128xi32, #tpu.memory_space<vmem>>
      %dma_start3A_503 = arith.constant 0 : i32
      %dma_start3A_504 = arith.constant 0 : i32
      %dma_start3A_505 = tpu.memref_slice %arg10[%dma_start3A_503, %dma_start3A_504] : memref<10240x128xbf16, #tpu.memory_space<vmem_shared>> -> memref<10240x128xbf16, #tpu.memory_space<vmem_shared>>
      tpu.enqueue_indirect_dma source(%dma_start3A_495 : memref<128x128xbf16, #tpu.memory_space<vmem>>) target(%dma_start3A_505 : memref<10240x128xbf16, #tpu.memory_space<vmem_shared>>) offsets(%dma_start3A_502 : memref<128xi32, #tpu.memory_space<vmem>>) semaphore(%arg16 : memref<!tpu.dma_semaphore, #tpu.memory_space<semaphore_mem>>) {add = true}
      %add3A_506 = arith.constant 1 : i32
      %add3A_507 = arith.addi %scan3A_406, %add3A_506 : i32
      %mul3A_508 = arith.constant 3 : i32
      %mul3A_509 = arith.muli %add3A_507, %mul3A_508 : i32
      %add3A_510 = arith.addi %add3A_48, %mul3A_509 : i32
      %min3A_511 = arith.constant 2497 : i32
      %min3A_512 = arith.minsi %add3A_510, %min3A_511 : i32
      %dma_wait3A_513 = arith.constant 0 : i32
      %dma_wait3A_514 = arith.constant 0 : i32
      %dma_wait3A_515 = tpu.memref_slice %arg6[%sub3A_409, %dma_wait3A_513, %dma_wait3A_514] : memref<2x3x128xi32, #tpu.memory_space<vmem>> -> memref<1x3x128xi32, #tpu.memory_space<vmem>>
      %dma_wait3A_516 = tpu.memref_squeeze %dma_wait3A_515 : memref<1x3x128xi32, #tpu.memory_space<vmem>> -> memref<3x128xi32, #tpu.memory_space<vmem>>
      %dma_wait3A_517 = arith.constant 0 : i32
      %dma_wait3A_518 = tpu.memref_slice %arg2[%min3A_512, %dma_wait3A_517] : memref<2500x128xi32, #tpu.memory_space<hbm>> -> memref<3x128xi32, #tpu.memory_space<hbm>>
      %dma_wait3A_519 = arith.constant 0 : i32
      %dma_wait3A_520 = arith.constant 0 : i32
      %dma_wait3A_521 = tpu.memref_slice %arg6[%sub3A_409, %dma_wait3A_519, %dma_wait3A_520] : memref<2x3x128xi32, #tpu.memory_space<vmem>> -> memref<1x3x128xi32, #tpu.memory_space<vmem>>
      %dma_wait3A_522 = tpu.memref_squeeze %dma_wait3A_521 : memref<1x3x128xi32, #tpu.memory_space<vmem>> -> memref<3x128xi32, #tpu.memory_space<vmem>>
      %dma_wait3A_523 = arith.constant 0 : i32
      %dma_wait3A_524 = tpu.memref_slice %arg2[%min3A_512, %dma_wait3A_523] : memref<2500x128xi32, #tpu.memory_space<hbm>> -> memref<3x128xi32, #tpu.memory_space<hbm>>
      tpu.wait_dma2 semaphore(%arg17 : memref<!tpu.dma_semaphore, #tpu.memory_space<semaphore_mem>>) src(%dma_wait3A_524 : memref<3x128xi32, #tpu.memory_space<hbm>>) dst(%dma_wait3A_522 : memref<3x128xi32, #tpu.memory_space<vmem>>)
      %mul3A_525 = arith.constant 3 : i32
      %mul3A_526 = arith.muli %add3A_507, %mul3A_525 : i32
      %add3A_527 = arith.addi %add3A_48, %mul3A_526 : i32
      %min3A_528 = arith.constant 2497 : i32
      %min3A_529 = arith.minsi %add3A_527, %min3A_528 : i32
      %dma_wait3A_530 = arith.constant 0 : i32
      %dma_wait3A_531 = arith.constant 0 : i32
      %dma_wait3A_532 = tpu.memref_slice %arg7[%sub3A_409, %dma_wait3A_530, %dma_wait3A_531] : memref<2x3x128xi32, #tpu.memory_space<vmem>> -> memref<1x3x128xi32, #tpu.memory_space<vmem>>
      %dma_wait3A_533 = tpu.memref_squeeze %dma_wait3A_532 : memref<1x3x128xi32, #tpu.memory_space<vmem>> -> memref<3x128xi32, #tpu.memory_space<vmem>>
      %dma_wait3A_534 = arith.constant 0 : i32
      %dma_wait3A_535 = tpu.memref_slice %arg3[%min3A_529, %dma_wait3A_534] : memref<2500x128xi32, #tpu.memory_space<hbm>> -> memref<3x128xi32, #tpu.memory_space<hbm>>
      %dma_wait3A_536 = arith.constant 0 : i32
      %dma_wait3A_537 = arith.constant 0 : i32
      %dma_wait3A_538 = tpu.memref_slice %arg7[%sub3A_409, %dma_wait3A_536, %dma_wait3A_537] : memref<2x3x128xi32, #tpu.memory_space<vmem>> -> memref<1x3x128xi32, #tpu.memory_space<vmem>>
      %dma_wait3A_539 = tpu.memref_squeeze %dma_wait3A_538 : memref<1x3x128xi32, #tpu.memory_space<vmem>> -> memref<3x128xi32, #tpu.memory_space<vmem>>
      %dma_wait3A_540 = arith.constant 0 : i32
      %dma_wait3A_541 = tpu.memref_slice %arg3[%min3A_529, %dma_wait3A_540] : memref<2500x128xi32, #tpu.memory_space<hbm>> -> memref<3x128xi32, #tpu.memory_space<hbm>>
      tpu.wait_dma2 semaphore(%arg18 : memref<!tpu.dma_semaphore, #tpu.memory_space<semaphore_mem>>) src(%dma_wait3A_541 : memref<3x128xi32, #tpu.memory_space<hbm>>) dst(%dma_wait3A_539 : memref<3x128xi32, #tpu.memory_space<vmem>>)
      %dma_wait3A_542 = arith.constant 0 : i32
      %dma_wait3A_543 = arith.constant 0 : i32
      %dma_wait3A_544 = arith.constant 0 : i32
      %dma_wait3A_545 = arith.constant 0 : i32
      %dma_wait3A_546 = tpu.memref_slice %arg8[%dma_wait3A_542, %dma_wait3A_544, %dma_wait3A_545] : memref<3x128x128xbf16, #tpu.memory_space<vmem>> -> memref<1x128x128xbf16, #tpu.memory_space<vmem>>
      %dma_wait3A_547 = tpu.memref_squeeze %dma_wait3A_546 : memref<1x128x128xbf16, #tpu.memory_space<vmem>> -> memref<128x128xbf16, #tpu.memory_space<vmem>>
      %dma_wait3A_548 = arith.constant 0 : i32
      %dma_wait3A_549 = arith.constant 0 : i32
      %dma_wait3A_550 = tpu.memref_slice %arg7[%rem3A_408, %dma_wait3A_548, %dma_wait3A_549] : memref<2x3x128xi32, #tpu.memory_space<vmem>> -> memref<1x3x128xi32, #tpu.memory_space<vmem>>
      %dma_wait3A_551 = tpu.memref_squeeze %dma_wait3A_550 : memref<1x3x128xi32, #tpu.memory_space<vmem>> -> memref<3x128xi32, #tpu.memory_space<vmem>>
      %dma_wait3A_552 = arith.constant 0 : i32
      %dma_wait3A_553 = tpu.memref_slice %dma_wait3A_551[%dma_wait3A_543, %dma_wait3A_552] : memref<3x128xi32, #tpu.memory_space<vmem>> -> memref<1x128xi32, #tpu.memory_space<vmem>>
      %dma_wait3A_554 = tpu.memref_squeeze %dma_wait3A_553 : memref<1x128xi32, #tpu.memory_space<vmem>> -> memref<128xi32, #tpu.memory_space<vmem>>
      %dma_wait3A_555 = arith.constant 0 : i32
      %dma_wait3A_556 = arith.constant 0 : i32
      %dma_wait3A_557 = tpu.memref_slice %arg10[%dma_wait3A_555, %dma_wait3A_556] : memref<10240x128xbf16, #tpu.memory_space<vmem_shared>> -> memref<10240x128xbf16, #tpu.memory_space<vmem_shared>>
      tpu.wait_indirect_dma semaphore(%arg14 : memref<!tpu.dma_semaphore, #tpu.memory_space<semaphore_mem>>) src(%dma_wait3A_547 : memref<128x128xbf16, #tpu.memory_space<vmem>>) dst(%dma_wait3A_557 : memref<10240x128xbf16, #tpu.memory_space<vmem_shared>>)
      %dma_wait3A_558 = arith.constant 1 : i32
      %dma_wait3A_559 = arith.constant 1 : i32
      %dma_wait3A_560 = arith.constant 0 : i32
      %dma_wait3A_561 = arith.constant 0 : i32
      %dma_wait3A_562 = tpu.memref_slice %arg8[%dma_wait3A_558, %dma_wait3A_560, %dma_wait3A_561] : memref<3x128x128xbf16, #tpu.memory_space<vmem>> -> memref<1x128x128xbf16, #tpu.memory_space<vmem>>
      %dma_wait3A_563 = tpu.memref_squeeze %dma_wait3A_562 : memref<1x128x128xbf16, #tpu.memory_space<vmem>> -> memref<128x128xbf16, #tpu.memory_space<vmem>>
      %dma_wait3A_564 = arith.constant 0 : i32
      %dma_wait3A_565 = arith.constant 0 : i32
      %dma_wait3A_566 = tpu.memref_slice %arg7[%rem3A_408, %dma_wait3A_564, %dma_wait3A_565] : memref<2x3x128xi32, #tpu.memory_space<vmem>> -> memref<1x3x128xi32, #tpu.memory_space<vmem>>
      %dma_wait3A_567 = tpu.memref_squeeze %dma_wait3A_566 : memref<1x3x128xi32, #tpu.memory_space<vmem>> -> memref<3x128xi32, #tpu.memory_space<vmem>>
      %dma_wait3A_568 = arith.constant 0 : i32
      %dma_wait3A_569 = tpu.memref_slice %dma_wait3A_567[%dma_wait3A_559, %dma_wait3A_568] : memref<3x128xi32, #tpu.memory_space<vmem>> -> memref<1x128xi32, #tpu.memory_space<vmem>>
      %dma_wait3A_570 = tpu.memref_squeeze %dma_wait3A_569 : memref<1x128xi32, #tpu.memory_space<vmem>> -> memref<128xi32, #tpu.memory_space<vmem>>
      %dma_wait3A_571 = arith.constant 0 : i32
      %dma_wait3A_572 = arith.constant 0 : i32
      %dma_wait3A_573 = tpu.memref_slice %arg10[%dma_wait3A_571, %dma_wait3A_572] : memref<10240x128xbf16, #tpu.memory_space<vmem_shared>> -> memref<10240x128xbf16, #tpu.memory_space<vmem_shared>>
      tpu.wait_indirect_dma semaphore(%arg15 : memref<!tpu.dma_semaphore, #tpu.memory_space<semaphore_mem>>) src(%dma_wait3A_563 : memref<128x128xbf16, #tpu.memory_space<vmem>>) dst(%dma_wait3A_573 : memref<10240x128xbf16, #tpu.memory_space<vmem_shared>>)
      %dma_wait3A_574 = arith.constant 2 : i32
      %dma_wait3A_575 = arith.constant 2 : i32
      %dma_wait3A_576 = arith.constant 0 : i32
      %dma_wait3A_577 = arith.constant 0 : i32
      %dma_wait3A_578 = tpu.memref_slice %arg8[%dma_wait3A_574, %dma_wait3A_576, %dma_wait3A_577] : memref<3x128x128xbf16, #tpu.memory_space<vmem>> -> memref<1x128x128xbf16, #tpu.memory_space<vmem>>
      %dma_wait3A_579 = tpu.memref_squeeze %dma_wait3A_578 : memref<1x128x128xbf16, #tpu.memory_space<vmem>> -> memref<128x128xbf16, #tpu.memory_space<vmem>>
      %dma_wait3A_580 = arith.constant 0 : i32
      %dma_wait3A_581 = arith.constant 0 : i32
      %dma_wait3A_582 = tpu.memref_slice %arg7[%rem3A_408, %dma_wait3A_580, %dma_wait3A_581] : memref<2x3x128xi32, #tpu.memory_space<vmem>> -> memref<1x3x128xi32, #tpu.memory_space<vmem>>
      %dma_wait3A_583 = tpu.memref_squeeze %dma_wait3A_582 : memref<1x3x128xi32, #tpu.memory_space<vmem>> -> memref<3x128xi32, #tpu.memory_space<vmem>>
      %dma_wait3A_584 = arith.constant 0 : i32
      %dma_wait3A_585 = tpu.memref_slice %dma_wait3A_583[%dma_wait3A_575, %dma_wait3A_584] : memref<3x128xi32, #tpu.memory_space<vmem>> -> memref<1x128xi32, #tpu.memory_space<vmem>>
      %dma_wait3A_586 = tpu.memref_squeeze %dma_wait3A_585 : memref<1x128xi32, #tpu.memory_space<vmem>> -> memref<128xi32, #tpu.memory_space<vmem>>
      %dma_wait3A_587 = arith.constant 0 : i32
      %dma_wait3A_588 = arith.constant 0 : i32
      %dma_wait3A_589 = tpu.memref_slice %arg10[%dma_wait3A_587, %dma_wait3A_588] : memref<10240x128xbf16, #tpu.memory_space<vmem_shared>> -> memref<10240x128xbf16, #tpu.memory_space<vmem_shared>>
      tpu.wait_indirect_dma semaphore(%arg16 : memref<!tpu.dma_semaphore, #tpu.memory_space<semaphore_mem>>) src(%dma_wait3A_579 : memref<128x128xbf16, #tpu.memory_space<vmem>>) dst(%dma_wait3A_589 : memref<10240x128xbf16, #tpu.memory_space<vmem_shared>>)
      %dma_start3A_590 = arith.constant 0 : i32
      %dma_start3A_591 = arith.constant 0 : i32
      %dma_start3A_592 = arith.constant 0 : i32
      %dma_start3A_593 = arith.constant 0 : i32
      %dma_start3A_594 = tpu.memref_slice %arg8[%dma_start3A_591, %dma_start3A_592, %dma_start3A_593] : memref<3x128x128xbf16, #tpu.memory_space<vmem>> -> memref<1x128x128xbf16, #tpu.memory_space<vmem>>
      %dma_start3A_595 = tpu.memref_squeeze %dma_start3A_594 : memref<1x128x128xbf16, #tpu.memory_space<vmem>> -> memref<128x128xbf16, #tpu.memory_space<vmem>>
      %dma_start3A_596 = arith.constant 0 : i32
      %dma_start3A_597 = arith.constant 0 : i32
      %dma_start3A_598 = tpu.memref_slice %arg6[%sub3A_409, %dma_start3A_596, %dma_start3A_597] : memref<2x3x128xi32, #tpu.memory_space<vmem>> -> memref<1x3x128xi32, #tpu.memory_space<vmem>>
      %dma_start3A_599 = tpu.memref_squeeze %dma_start3A_598 : memref<1x3x128xi32, #tpu.memory_space<vmem>> -> memref<3x128xi32, #tpu.memory_space<vmem>>
      %dma_start3A_600 = arith.constant 0 : i32
      %dma_start3A_601 = tpu.memref_slice %dma_start3A_599[%dma_start3A_590, %dma_start3A_600] : memref<3x128xi32, #tpu.memory_space<vmem>> -> memref<1x128xi32, #tpu.memory_space<vmem>>
      %dma_start3A_602 = tpu.memref_squeeze %dma_start3A_601 : memref<1x128xi32, #tpu.memory_space<vmem>> -> memref<128xi32, #tpu.memory_space<vmem>>
      %dma_start3A_603 = arith.constant 0 : i32
      %dma_start3A_604 = arith.constant 0 : i32
      %dma_start3A_605 = tpu.memref_slice %arg9[%dma_start3A_603, %dma_start3A_604] : memref<10240x128xbf16, #tpu.memory_space<vmem_shared>> -> memref<10240x128xbf16, #tpu.memory_space<vmem_shared>>
      tpu.enqueue_indirect_dma source(%dma_start3A_605 : memref<10240x128xbf16, #tpu.memory_space<vmem_shared>>) target(%dma_start3A_595 : memref<128x128xbf16, #tpu.memory_space<vmem>>) offsets(%dma_start3A_602 : memref<128xi32, #tpu.memory_space<vmem>>) semaphore(%arg11 : memref<!tpu.dma_semaphore, #tpu.memory_space<semaphore_mem>>)
      %dma_start3A_606 = arith.constant 1 : i32
      %dma_start3A_607 = arith.constant 1 : i32
      %dma_start3A_608 = arith.constant 0 : i32
      %dma_start3A_609 = arith.constant 0 : i32
      %dma_start3A_610 = tpu.memref_slice %arg8[%dma_start3A_607, %dma_start3A_608, %dma_start3A_609] : memref<3x128x128xbf16, #tpu.memory_space<vmem>> -> memref<1x128x128xbf16, #tpu.memory_space<vmem>>
      %dma_start3A_611 = tpu.memref_squeeze %dma_start3A_610 : memref<1x128x128xbf16, #tpu.memory_space<vmem>> -> memref<128x128xbf16, #tpu.memory_space<vmem>>
      %dma_start3A_612 = arith.constant 0 : i32
      %dma_start3A_613 = arith.constant 0 : i32
      %dma_start3A_614 = tpu.memref_slice %arg6[%sub3A_409, %dma_start3A_612, %dma_start3A_613] : memref<2x3x128xi32, #tpu.memory_space<vmem>> -> memref<1x3x128xi32, #tpu.memory_space<vmem>>
      %dma_start3A_615 = tpu.memref_squeeze %dma_start3A_614 : memref<1x3x128xi32, #tpu.memory_space<vmem>> -> memref<3x128xi32, #tpu.memory_space<vmem>>
      %dma_start3A_616 = arith.constant 0 : i32
      %dma_start3A_617 = tpu.memref_slice %dma_start3A_615[%dma_start3A_606, %dma_start3A_616] : memref<3x128xi32, #tpu.memory_space<vmem>> -> memref<1x128xi32, #tpu.memory_space<vmem>>
      %dma_start3A_618 = tpu.memref_squeeze %dma_start3A_617 : memref<1x128xi32, #tpu.memory_space<vmem>> -> memref<128xi32, #tpu.memory_space<vmem>>
      %dma_start3A_619 = arith.constant 0 : i32
      %dma_start3A_620 = arith.constant 0 : i32
      %dma_start3A_621 = tpu.memref_slice %arg9[%dma_start3A_619, %dma_start3A_620] : memref<10240x128xbf16, #tpu.memory_space<vmem_shared>> -> memref<10240x128xbf16, #tpu.memory_space<vmem_shared>>
      tpu.enqueue_indirect_dma source(%dma_start3A_621 : memref<10240x128xbf16, #tpu.memory_space<vmem_shared>>) target(%dma_start3A_611 : memref<128x128xbf16, #tpu.memory_space<vmem>>) offsets(%dma_start3A_618 : memref<128xi32, #tpu.memory_space<vmem>>) semaphore(%arg12 : memref<!tpu.dma_semaphore, #tpu.memory_space<semaphore_mem>>)
      %dma_start3A_622 = arith.constant 2 : i32
      %dma_start3A_623 = arith.constant 2 : i32
      %dma_start3A_624 = arith.constant 0 : i32
      %dma_start3A_625 = arith.constant 0 : i32
      %dma_start3A_626 = tpu.memref_slice %arg8[%dma_start3A_623, %dma_start3A_624, %dma_start3A_625] : memref<3x128x128xbf16, #tpu.memory_space<vmem>> -> memref<1x128x128xbf16, #tpu.memory_space<vmem>>
      %dma_start3A_627 = tpu.memref_squeeze %dma_start3A_626 : memref<1x128x128xbf16, #tpu.memory_space<vmem>> -> memref<128x128xbf16, #tpu.memory_space<vmem>>
      %dma_start3A_628 = arith.constant 0 : i32
      %dma_start3A_629 = arith.constant 0 : i32
      %dma_start3A_630 = tpu.memref_slice %arg6[%sub3A_409, %dma_start3A_628, %dma_start3A_629] : memref<2x3x128xi32, #tpu.memory_space<vmem>> -> memref<1x3x128xi32, #tpu.memory_space<vmem>>
      %dma_start3A_631 = tpu.memref_squeeze %dma_start3A_630 : memref<1x3x128xi32, #tpu.memory_space<vmem>> -> memref<3x128xi32, #tpu.memory_space<vmem>>
      %dma_start3A_632 = arith.constant 0 : i32
      %dma_start3A_633 = tpu.memref_slice %dma_start3A_631[%dma_start3A_622, %dma_start3A_632] : memref<3x128xi32, #tpu.memory_space<vmem>> -> memref<1x128xi32, #tpu.memory_space<vmem>>
      %dma_start3A_634 = tpu.memref_squeeze %dma_start3A_633 : memref<1x128xi32, #tpu.memory_space<vmem>> -> memref<128xi32, #tpu.memory_space<vmem>>
      %dma_start3A_635 = arith.constant 0 : i32
      %dma_start3A_636 = arith.constant 0 : i32
      %dma_start3A_637 = tpu.memref_slice %arg9[%dma_start3A_635, %dma_start3A_636] : memref<10240x128xbf16, #tpu.memory_space<vmem_shared>> -> memref<10240x128xbf16, #tpu.memory_space<vmem_shared>>
      tpu.enqueue_indirect_dma source(%dma_start3A_637 : memref<10240x128xbf16, #tpu.memory_space<vmem_shared>>) target(%dma_start3A_627 : memref<128x128xbf16, #tpu.memory_space<vmem>>) offsets(%dma_start3A_634 : memref<128xi32, #tpu.memory_space<vmem>>) semaphore(%arg13 : memref<!tpu.dma_semaphore, #tpu.memory_space<semaphore_mem>>)
      %add3A_638 = arith.constant 2 : i32
      %add3A_639 = arith.addi %scan3A_406, %add3A_638 : i32
      %mul3A_640 = arith.constant 3 : i32
      %mul3A_641 = arith.muli %add3A_639, %mul3A_640 : i32
      %add3A_642 = arith.addi %add3A_48, %mul3A_641 : i32
      %min3A_643 = arith.constant 2497 : i32
      %min3A_644 = arith.minsi %add3A_642, %min3A_643 : i32
      %dma_start3A_645 = arith.constant 0 : i32
      %dma_start3A_646 = arith.constant 0 : i32
      %dma_start3A_647 = tpu.memref_slice %arg6[%rem3A_408, %dma_start3A_645, %dma_start3A_646] : memref<2x3x128xi32, #tpu.memory_space<vmem>> -> memref<1x3x128xi32, #tpu.memory_space<vmem>>
      %dma_start3A_648 = tpu.memref_squeeze %dma_start3A_647 : memref<1x3x128xi32, #tpu.memory_space<vmem>> -> memref<3x128xi32, #tpu.memory_space<vmem>>
      %dma_start3A_649 = arith.constant 0 : i32
      %dma_start3A_650 = tpu.memref_slice %arg2[%min3A_644, %dma_start3A_649] : memref<2500x128xi32, #tpu.memory_space<hbm>> -> memref<3x128xi32, #tpu.memory_space<hbm>>
      %dma_start3A_651 = arith.constant 0 : i32
      %dma_start3A_652 = arith.constant 0 : i32
      %dma_start3A_653 = tpu.memref_slice %arg6[%rem3A_408, %dma_start3A_651, %dma_start3A_652] : memref<2x3x128xi32, #tpu.memory_space<vmem>> -> memref<1x3x128xi32, #tpu.memory_space<vmem>>
      %dma_start3A_654 = tpu.memref_squeeze %dma_start3A_653 : memref<1x3x128xi32, #tpu.memory_space<vmem>> -> memref<3x128xi32, #tpu.memory_space<vmem>>
      %dma_start3A_655 = arith.constant 0 : i32
      %dma_start3A_656 = tpu.memref_slice %arg2[%min3A_644, %dma_start3A_655] : memref<2500x128xi32, #tpu.memory_space<hbm>> -> memref<3x128xi32, #tpu.memory_space<hbm>>
      tpu.enqueue_dma source(%dma_start3A_656 : memref<3x128xi32, #tpu.memory_space<hbm>>) target(%dma_start3A_654 : memref<3x128xi32, #tpu.memory_space<vmem>>) target_semaphore(%arg17 : memref<!tpu.dma_semaphore, #tpu.memory_space<semaphore_mem>>)
      %mul3A_657 = arith.constant 3 : i32
      %mul3A_658 = arith.muli %add3A_639, %mul3A_657 : i32
      %add3A_659 = arith.addi %add3A_48, %mul3A_658 : i32
      %min3A_660 = arith.constant 2497 : i32
      %min3A_661 = arith.minsi %add3A_659, %min3A_660 : i32
      %dma_start3A_662 = arith.constant 0 : i32
      %dma_start3A_663 = arith.constant 0 : i32
      %dma_start3A_664 = tpu.memref_slice %arg7[%rem3A_408, %dma_start3A_662, %dma_start3A_663] : memref<2x3x128xi32, #tpu.memory_space<vmem>> -> memref<1x3x128xi32, #tpu.memory_space<vmem>>
      %dma_start3A_665 = tpu.memref_squeeze %dma_start3A_664 : memref<1x3x128xi32, #tpu.memory_space<vmem>> -> memref<3x128xi32, #tpu.memory_space<vmem>>
      %dma_start3A_666 = arith.constant 0 : i32
      %dma_start3A_667 = tpu.memref_slice %arg3[%min3A_661, %dma_start3A_666] : memref<2500x128xi32, #tpu.memory_space<hbm>> -> memref<3x128xi32, #tpu.memory_space<hbm>>
      %dma_start3A_668 = arith.constant 0 : i32
      %dma_start3A_669 = arith.constant 0 : i32
      %dma_start3A_670 = tpu.memref_slice %arg7[%rem3A_408, %dma_start3A_668, %dma_start3A_669] : memref<2x3x128xi32, #tpu.memory_space<vmem>> -> memref<1x3x128xi32, #tpu.memory_space<vmem>>
      %dma_start3A_671 = tpu.memref_squeeze %dma_start3A_670 : memref<1x3x128xi32, #tpu.memory_space<vmem>> -> memref<3x128xi32, #tpu.memory_space<vmem>>
      %dma_start3A_672 = arith.constant 0 : i32
      %dma_start3A_673 = tpu.memref_slice %arg3[%min3A_661, %dma_start3A_672] : memref<2500x128xi32, #tpu.memory_space<hbm>> -> memref<3x128xi32, #tpu.memory_space<hbm>>
      tpu.enqueue_dma source(%dma_start3A_673 : memref<3x128xi32, #tpu.memory_space<hbm>>) target(%dma_start3A_671 : memref<3x128xi32, #tpu.memory_space<vmem>>) target_semaphore(%arg18 : memref<!tpu.dma_semaphore, #tpu.memory_space<semaphore_mem>>)
      %scan3A_674 = arith.constant 0 : i32
      scf.yield %scan3A_674 : i32
    }
    %scan3A_205 = arith.constant 25 : i32
    %dma_wait3A_206 = arith.constant 1 : i32
    %dma_wait3A_207 = arith.constant 0 : i32
    %dma_wait3A_208 = arith.constant 0 : i32
    %dma_wait3A_209 = arith.constant 0 : i32
    %dma_wait3A_210 = arith.constant 0 : i32
    %dma_wait3A_211 = tpu.memref_slice %arg8[%dma_wait3A_208, %dma_wait3A_209, %dma_wait3A_210] : memref<3x128x128xbf16, #tpu.memory_space<vmem>> -> memref<1x128x128xbf16, #tpu.memory_space<vmem>>
    %dma_wait3A_212 = tpu.memref_squeeze %dma_wait3A_211 : memref<1x128x128xbf16, #tpu.memory_space<vmem>> -> memref<128x128xbf16, #tpu.memory_space<vmem>>
    %dma_wait3A_213 = arith.constant 0 : i32
    %dma_wait3A_214 = arith.constant 0 : i32
    %dma_wait3A_215 = tpu.memref_slice %arg6[%dma_wait3A_206, %dma_wait3A_213, %dma_wait3A_214] : memref<2x3x128xi32, #tpu.memory_space<vmem>> -> memref<1x3x128xi32, #tpu.memory_space<vmem>>
    %dma_wait3A_216 = tpu.memref_squeeze %dma_wait3A_215 : memref<1x3x128xi32, #tpu.memory_space<vmem>> -> memref<3x128xi32, #tpu.memory_space<vmem>>
    %dma_wait3A_217 = arith.constant 0 : i32
    %dma_wait3A_218 = tpu.memref_slice %dma_wait3A_216[%dma_wait3A_207, %dma_wait3A_217] : memref<3x128xi32, #tpu.memory_space<vmem>> -> memref<1x128xi32, #tpu.memory_space<vmem>>
    %dma_wait3A_219 = tpu.memref_squeeze %dma_wait3A_218 : memref<1x128xi32, #tpu.memory_space<vmem>> -> memref<128xi32, #tpu.memory_space<vmem>>
    %dma_wait3A_220 = arith.constant 0 : i32
    %dma_wait3A_221 = arith.constant 0 : i32
    %dma_wait3A_222 = tpu.memref_slice %arg9[%dma_wait3A_220, %dma_wait3A_221] : memref<10240x128xbf16, #tpu.memory_space<vmem_shared>> -> memref<10240x128xbf16, #tpu.memory_space<vmem_shared>>
    tpu.wait_indirect_dma semaphore(%arg11 : memref<!tpu.dma_semaphore, #tpu.memory_space<semaphore_mem>>) src(%dma_wait3A_222 : memref<10240x128xbf16, #tpu.memory_space<vmem_shared>>) dst(%dma_wait3A_212 : memref<128x128xbf16, #tpu.memory_space<vmem>>)
    %dma_start3A_223 = arith.constant 0 : i32
    %dma_start3A_224 = arith.constant 1 : i32
    %dma_start3A_225 = arith.constant 0 : i32
    %dma_start3A_226 = arith.constant 0 : i32
    %dma_start3A_227 = arith.constant 0 : i32
    %dma_start3A_228 = tpu.memref_slice %arg8[%dma_start3A_223, %dma_start3A_226, %dma_start3A_227] : memref<3x128x128xbf16, #tpu.memory_space<vmem>> -> memref<1x128x128xbf16, #tpu.memory_space<vmem>>
    %dma_start3A_229 = tpu.memref_squeeze %dma_start3A_228 : memref<1x128x128xbf16, #tpu.memory_space<vmem>> -> memref<128x128xbf16, #tpu.memory_space<vmem>>
    %dma_start3A_230 = arith.constant 0 : i32
    %dma_start3A_231 = arith.constant 0 : i32
    %dma_start3A_232 = tpu.memref_slice %arg7[%dma_start3A_224, %dma_start3A_230, %dma_start3A_231] : memref<2x3x128xi32, #tpu.memory_space<vmem>> -> memref<1x3x128xi32, #tpu.memory_space<vmem>>
    %dma_start3A_233 = tpu.memref_squeeze %dma_start3A_232 : memref<1x3x128xi32, #tpu.memory_space<vmem>> -> memref<3x128xi32, #tpu.memory_space<vmem>>
    %dma_start3A_234 = arith.constant 0 : i32
    %dma_start3A_235 = tpu.memref_slice %dma_start3A_233[%dma_start3A_225, %dma_start3A_234] : memref<3x128xi32, #tpu.memory_space<vmem>> -> memref<1x128xi32, #tpu.memory_space<vmem>>
    %dma_start3A_236 = tpu.memref_squeeze %dma_start3A_235 : memref<1x128xi32, #tpu.memory_space<vmem>> -> memref<128xi32, #tpu.memory_space<vmem>>
    %dma_start3A_237 = arith.constant 0 : i32
    %dma_start3A_238 = arith.constant 0 : i32
    %dma_start3A_239 = tpu.memref_slice %arg10[%dma_start3A_237, %dma_start3A_238] : memref<10240x128xbf16, #tpu.memory_space<vmem_shared>> -> memref<10240x128xbf16, #tpu.memory_space<vmem_shared>>
    tpu.enqueue_indirect_dma source(%dma_start3A_229 : memref<128x128xbf16, #tpu.memory_space<vmem>>) target(%dma_start3A_239 : memref<10240x128xbf16, #tpu.memory_space<vmem_shared>>) offsets(%dma_start3A_236 : memref<128xi32, #tpu.memory_space<vmem>>) semaphore(%arg14 : memref<!tpu.dma_semaphore, #tpu.memory_space<semaphore_mem>>) {add = true}
    %dma_wait3A_240 = arith.constant 1 : i32
    %dma_wait3A_241 = arith.constant 1 : i32
    %dma_wait3A_242 = arith.constant 1 : i32
    %dma_wait3A_243 = arith.constant 0 : i32
    %dma_wait3A_244 = arith.constant 0 : i32
    %dma_wait3A_245 = tpu.memref_slice %arg8[%dma_wait3A_242, %dma_wait3A_243, %dma_wait3A_244] : memref<3x128x128xbf16, #tpu.memory_space<vmem>> -> memref<1x128x128xbf16, #tpu.memory_space<vmem>>
    %dma_wait3A_246 = tpu.memref_squeeze %dma_wait3A_245 : memref<1x128x128xbf16, #tpu.memory_space<vmem>> -> memref<128x128xbf16, #tpu.memory_space<vmem>>
    %dma_wait3A_247 = arith.constant 0 : i32
    %dma_wait3A_248 = arith.constant 0 : i32
    %dma_wait3A_249 = tpu.memref_slice %arg6[%dma_wait3A_240, %dma_wait3A_247, %dma_wait3A_248] : memref<2x3x128xi32, #tpu.memory_space<vmem>> -> memref<1x3x128xi32, #tpu.memory_space<vmem>>
    %dma_wait3A_250 = tpu.memref_squeeze %dma_wait3A_249 : memref<1x3x128xi32, #tpu.memory_space<vmem>> -> memref<3x128xi32, #tpu.memory_space<vmem>>
    %dma_wait3A_251 = arith.constant 0 : i32
    %dma_wait3A_252 = tpu.memref_slice %dma_wait3A_250[%dma_wait3A_241, %dma_wait3A_251] : memref<3x128xi32, #tpu.memory_space<vmem>> -> memref<1x128xi32, #tpu.memory_space<vmem>>
    %dma_wait3A_253 = tpu.memref_squeeze %dma_wait3A_252 : memref<1x128xi32, #tpu.memory_space<vmem>> -> memref<128xi32, #tpu.memory_space<vmem>>
    %dma_wait3A_254 = arith.constant 0 : i32
    %dma_wait3A_255 = arith.constant 0 : i32
    %dma_wait3A_256 = tpu.memref_slice %arg9[%dma_wait3A_254, %dma_wait3A_255] : memref<10240x128xbf16, #tpu.memory_space<vmem_shared>> -> memref<10240x128xbf16, #tpu.memory_space<vmem_shared>>
    tpu.wait_indirect_dma semaphore(%arg12 : memref<!tpu.dma_semaphore, #tpu.memory_space<semaphore_mem>>) src(%dma_wait3A_256 : memref<10240x128xbf16, #tpu.memory_space<vmem_shared>>) dst(%dma_wait3A_246 : memref<128x128xbf16, #tpu.memory_space<vmem>>)
    %dma_start3A_257 = arith.constant 1 : i32
    %dma_start3A_258 = arith.constant 1 : i32
    %dma_start3A_259 = arith.constant 1 : i32
    %dma_start3A_260 = arith.constant 0 : i32
    %dma_start3A_261 = arith.constant 0 : i32
    %dma_start3A_262 = tpu.memref_slice %arg8[%dma_start3A_257, %dma_start3A_260, %dma_start3A_261] : memref<3x128x128xbf16, #tpu.memory_space<vmem>> -> memref<1x128x128xbf16, #tpu.memory_space<vmem>>
    %dma_start3A_263 = tpu.memref_squeeze %dma_start3A_262 : memref<1x128x128xbf16, #tpu.memory_space<vmem>> -> memref<128x128xbf16, #tpu.memory_space<vmem>>
    %dma_start3A_264 = arith.constant 0 : i32
    %dma_start3A_265 = arith.constant 0 : i32
    %dma_start3A_266 = tpu.memref_slice %arg7[%dma_start3A_258, %dma_start3A_264, %dma_start3A_265] : memref<2x3x128xi32, #tpu.memory_space<vmem>> -> memref<1x3x128xi32, #tpu.memory_space<vmem>>
    %dma_start3A_267 = tpu.memref_squeeze %dma_start3A_266 : memref<1x3x128xi32, #tpu.memory_space<vmem>> -> memref<3x128xi32, #tpu.memory_space<vmem>>
    %dma_start3A_268 = arith.constant 0 : i32
    %dma_start3A_269 = tpu.memref_slice %dma_start3A_267[%dma_start3A_259, %dma_start3A_268] : memref<3x128xi32, #tpu.memory_space<vmem>> -> memref<1x128xi32, #tpu.memory_space<vmem>>
    %dma_start3A_270 = tpu.memref_squeeze %dma_start3A_269 : memref<1x128xi32, #tpu.memory_space<vmem>> -> memref<128xi32, #tpu.memory_space<vmem>>
    %dma_start3A_271 = arith.constant 0 : i32
    %dma_start3A_272 = arith.constant 0 : i32
    %dma_start3A_273 = tpu.memref_slice %arg10[%dma_start3A_271, %dma_start3A_272] : memref<10240x128xbf16, #tpu.memory_space<vmem_shared>> -> memref<10240x128xbf16, #tpu.memory_space<vmem_shared>>
    tpu.enqueue_indirect_dma source(%dma_start3A_263 : memref<128x128xbf16, #tpu.memory_space<vmem>>) target(%dma_start3A_273 : memref<10240x128xbf16, #tpu.memory_space<vmem_shared>>) offsets(%dma_start3A_270 : memref<128xi32, #tpu.memory_space<vmem>>) semaphore(%arg15 : memref<!tpu.dma_semaphore, #tpu.memory_space<semaphore_mem>>) {add = true}
    %dma_wait3A_274 = arith.constant 1 : i32
    %dma_wait3A_275 = arith.constant 2 : i32
    %dma_wait3A_276 = arith.constant 2 : i32
    %dma_wait3A_277 = arith.constant 0 : i32
    %dma_wait3A_278 = arith.constant 0 : i32
    %dma_wait3A_279 = tpu.memref_slice %arg8[%dma_wait3A_276, %dma_wait3A_277, %dma_wait3A_278] : memref<3x128x128xbf16, #tpu.memory_space<vmem>> -> memref<1x128x128xbf16, #tpu.memory_space<vmem>>
    %dma_wait3A_280 = tpu.memref_squeeze %dma_wait3A_279 : memref<1x128x128xbf16, #tpu.memory_space<vmem>> -> memref<128x128xbf16, #tpu.memory_space<vmem>>
    %dma_wait3A_281 = arith.constant 0 : i32
    %dma_wait3A_282 = arith.constant 0 : i32
    %dma_wait3A_283 = tpu.memref_slice %arg6[%dma_wait3A_274, %dma_wait3A_281, %dma_wait3A_282] : memref<2x3x128xi32, #tpu.memory_space<vmem>> -> memref<1x3x128xi32, #tpu.memory_space<vmem>>
    %dma_wait3A_284 = tpu.memref_squeeze %dma_wait3A_283 : memref<1x3x128xi32, #tpu.memory_space<vmem>> -> memref<3x128xi32, #tpu.memory_space<vmem>>
    %dma_wait3A_285 = arith.constant 0 : i32
    %dma_wait3A_286 = tpu.memref_slice %dma_wait3A_284[%dma_wait3A_275, %dma_wait3A_285] : memref<3x128xi32, #tpu.memory_space<vmem>> -> memref<1x128xi32, #tpu.memory_space<vmem>>
    %dma_wait3A_287 = tpu.memref_squeeze %dma_wait3A_286 : memref<1x128xi32, #tpu.memory_space<vmem>> -> memref<128xi32, #tpu.memory_space<vmem>>
    %dma_wait3A_288 = arith.constant 0 : i32
    %dma_wait3A_289 = arith.constant 0 : i32
    %dma_wait3A_290 = tpu.memref_slice %arg9[%dma_wait3A_288, %dma_wait3A_289] : memref<10240x128xbf16, #tpu.memory_space<vmem_shared>> -> memref<10240x128xbf16, #tpu.memory_space<vmem_shared>>
    tpu.wait_indirect_dma semaphore(%arg13 : memref<!tpu.dma_semaphore, #tpu.memory_space<semaphore_mem>>) src(%dma_wait3A_290 : memref<10240x128xbf16, #tpu.memory_space<vmem_shared>>) dst(%dma_wait3A_280 : memref<128x128xbf16, #tpu.memory_space<vmem>>)
    %dma_start3A_291 = arith.constant 2 : i32
    %dma_start3A_292 = arith.constant 1 : i32
    %dma_start3A_293 = arith.constant 2 : i32
    %dma_start3A_294 = arith.constant 0 : i32
    %dma_start3A_295 = arith.constant 0 : i32
    %dma_start3A_296 = tpu.memref_slice %arg8[%dma_start3A_291, %dma_start3A_294, %dma_start3A_295] : memref<3x128x128xbf16, #tpu.memory_space<vmem>> -> memref<1x128x128xbf16, #tpu.memory_space<vmem>>
    %dma_start3A_297 = tpu.memref_squeeze %dma_start3A_296 : memref<1x128x128xbf16, #tpu.memory_space<vmem>> -> memref<128x128xbf16, #tpu.memory_space<vmem>>
    %dma_start3A_298 = arith.constant 0 : i32
    %dma_start3A_299 = arith.constant 0 : i32
    %dma_start3A_300 = tpu.memref_slice %arg7[%dma_start3A_292, %dma_start3A_298, %dma_start3A_299] : memref<2x3x128xi32, #tpu.memory_space<vmem>> -> memref<1x3x128xi32, #tpu.memory_space<vmem>>
    %dma_start3A_301 = tpu.memref_squeeze %dma_start3A_300 : memref<1x3x128xi32, #tpu.memory_space<vmem>> -> memref<3x128xi32, #tpu.memory_space<vmem>>
    %dma_start3A_302 = arith.constant 0 : i32
    %dma_start3A_303 = tpu.memref_slice %dma_start3A_301[%dma_start3A_293, %dma_start3A_302] : memref<3x128xi32, #tpu.memory_space<vmem>> -> memref<1x128xi32, #tpu.memory_space<vmem>>
    %dma_start3A_304 = tpu.memref_squeeze %dma_start3A_303 : memref<1x128xi32, #tpu.memory_space<vmem>> -> memref<128xi32, #tpu.memory_space<vmem>>
    %dma_start3A_305 = arith.constant 0 : i32
    %dma_start3A_306 = arith.constant 0 : i32
    %dma_start3A_307 = tpu.memref_slice %arg10[%dma_start3A_305, %dma_start3A_306] : memref<10240x128xbf16, #tpu.memory_space<vmem_shared>> -> memref<10240x128xbf16, #tpu.memory_space<vmem_shared>>
    tpu.enqueue_indirect_dma source(%dma_start3A_297 : memref<128x128xbf16, #tpu.memory_space<vmem>>) target(%dma_start3A_307 : memref<10240x128xbf16, #tpu.memory_space<vmem_shared>>) offsets(%dma_start3A_304 : memref<128xi32, #tpu.memory_space<vmem>>) semaphore(%arg16 : memref<!tpu.dma_semaphore, #tpu.memory_space<semaphore_mem>>) {add = true}
    %add3A_308 = arith.constant 78 : i32
    %add3A_309 = arith.addi %add3A_48, %add3A_308 : i32
    %min3A_310 = arith.constant 2497 : i32
    %min3A_311 = arith.minsi %add3A_309, %min3A_310 : i32
    %dma_wait3A_312 = arith.constant 0 : i32
    %dma_wait3A_313 = arith.constant 0 : i32
    %dma_wait3A_314 = arith.constant 0 : i32
    %dma_wait3A_315 = tpu.memref_slice %arg6[%dma_wait3A_312, %dma_wait3A_313, %dma_wait3A_314] : memref<2x3x128xi32, #tpu.memory_space<vmem>> -> memref<1x3x128xi32, #tpu.memory_space<vmem>>
    %dma_wait3A_316 = tpu.memref_squeeze %dma_wait3A_315 : memref<1x3x128xi32, #tpu.memory_space<vmem>> -> memref<3x128xi32, #tpu.memory_space<vmem>>
    %dma_wait3A_317 = arith.constant 0 : i32
    %dma_wait3A_318 = tpu.memref_slice %arg2[%min3A_311, %dma_wait3A_317] : memref<2500x128xi32, #tpu.memory_space<hbm>> -> memref<3x128xi32, #tpu.memory_space<hbm>>
    %dma_wait3A_319 = arith.constant 0 : i32
    %dma_wait3A_320 = arith.constant 0 : i32
    %dma_wait3A_321 = tpu.memref_slice %arg6[%dma_wait3A_312, %dma_wait3A_319, %dma_wait3A_320] : memref<2x3x128xi32, #tpu.memory_space<vmem>> -> memref<1x3x128xi32, #tpu.memory_space<vmem>>
    %dma_wait3A_322 = tpu.memref_squeeze %dma_wait3A_321 : memref<1x3x128xi32, #tpu.memory_space<vmem>> -> memref<3x128xi32, #tpu.memory_space<vmem>>
    %dma_wait3A_323 = arith.constant 0 : i32
    %dma_wait3A_324 = tpu.memref_slice %arg2[%min3A_311, %dma_wait3A_323] : memref<2500x128xi32, #tpu.memory_space<hbm>> -> memref<3x128xi32, #tpu.memory_space<hbm>>
    tpu.wait_dma2 semaphore(%arg17 : memref<!tpu.dma_semaphore, #tpu.memory_space<semaphore_mem>>) src(%dma_wait3A_324 : memref<3x128xi32, #tpu.memory_space<hbm>>) dst(%dma_wait3A_322 : memref<3x128xi32, #tpu.memory_space<vmem>>)
    %add3A_325 = arith.constant 78 : i32
    %add3A_326 = arith.addi %add3A_48, %add3A_325 : i32
    %min3A_327 = arith.constant 2497 : i32
    %min3A_328 = arith.minsi %add3A_326, %min3A_327 : i32
    %dma_wait3A_329 = arith.constant 0 : i32
    %dma_wait3A_330 = arith.constant 0 : i32
    %dma_wait3A_331 = arith.constant 0 : i32
    %dma_wait3A_332 = tpu.memref_slice %arg7[%dma_wait3A_329, %dma_wait3A_330, %dma_wait3A_331] : memref<2x3x128xi32, #tpu.memory_space<vmem>> -> memref<1x3x128xi32, #tpu.memory_space<vmem>>
    %dma_wait3A_333 = tpu.memref_squeeze %dma_wait3A_332 : memref<1x3x128xi32, #tpu.memory_space<vmem>> -> memref<3x128xi32, #tpu.memory_space<vmem>>
    %dma_wait3A_334 = arith.constant 0 : i32
    %dma_wait3A_335 = tpu.memref_slice %arg3[%min3A_328, %dma_wait3A_334] : memref<2500x128xi32, #tpu.memory_space<hbm>> -> memref<3x128xi32, #tpu.memory_space<hbm>>
    %dma_wait3A_336 = arith.constant 0 : i32
    %dma_wait3A_337 = arith.constant 0 : i32
    %dma_wait3A_338 = tpu.memref_slice %arg7[%dma_wait3A_329, %dma_wait3A_336, %dma_wait3A_337] : memref<2x3x128xi32, #tpu.memory_space<vmem>> -> memref<1x3x128xi32, #tpu.memory_space<vmem>>
    %dma_wait3A_339 = tpu.memref_squeeze %dma_wait3A_338 : memref<1x3x128xi32, #tpu.memory_space<vmem>> -> memref<3x128xi32, #tpu.memory_space<vmem>>
    %dma_wait3A_340 = arith.constant 0 : i32
    %dma_wait3A_341 = tpu.memref_slice %arg3[%min3A_328, %dma_wait3A_340] : memref<2500x128xi32, #tpu.memory_space<hbm>> -> memref<3x128xi32, #tpu.memory_space<hbm>>
    tpu.wait_dma2 semaphore(%arg18 : memref<!tpu.dma_semaphore, #tpu.memory_space<semaphore_mem>>) src(%dma_wait3A_341 : memref<3x128xi32, #tpu.memory_space<hbm>>) dst(%dma_wait3A_339 : memref<3x128xi32, #tpu.memory_space<vmem>>)
    %dma_wait3A_342 = arith.constant 0 : i32
    %dma_wait3A_343 = arith.constant 1 : i32
    %dma_wait3A_344 = arith.constant 0 : i32
    %dma_wait3A_345 = arith.constant 0 : i32
    %dma_wait3A_346 = arith.constant 0 : i32
    %dma_wait3A_347 = tpu.memref_slice %arg8[%dma_wait3A_342, %dma_wait3A_345, %dma_wait3A_346] : memref<3x128x128xbf16, #tpu.memory_space<vmem>> -> memref<1x128x128xbf16, #tpu.memory_space<vmem>>
    %dma_wait3A_348 = tpu.memref_squeeze %dma_wait3A_347 : memref<1x128x128xbf16, #tpu.memory_space<vmem>> -> memref<128x128xbf16, #tpu.memory_space<vmem>>
    %dma_wait3A_349 = arith.constant 0 : i32
    %dma_wait3A_350 = arith.constant 0 : i32
    %dma_wait3A_351 = tpu.memref_slice %arg7[%dma_wait3A_343, %dma_wait3A_349, %dma_wait3A_350] : memref<2x3x128xi32, #tpu.memory_space<vmem>> -> memref<1x3x128xi32, #tpu.memory_space<vmem>>
    %dma_wait3A_352 = tpu.memref_squeeze %dma_wait3A_351 : memref<1x3x128xi32, #tpu.memory_space<vmem>> -> memref<3x128xi32, #tpu.memory_space<vmem>>
    %dma_wait3A_353 = arith.constant 0 : i32
    %dma_wait3A_354 = tpu.memref_slice %dma_wait3A_352[%dma_wait3A_344, %dma_wait3A_353] : memref<3x128xi32, #tpu.memory_space<vmem>> -> memref<1x128xi32, #tpu.memory_space<vmem>>
    %dma_wait3A_355 = tpu.memref_squeeze %dma_wait3A_354 : memref<1x128xi32, #tpu.memory_space<vmem>> -> memref<128xi32, #tpu.memory_space<vmem>>
    %dma_wait3A_356 = arith.constant 0 : i32
    %dma_wait3A_357 = arith.constant 0 : i32
    %dma_wait3A_358 = tpu.memref_slice %arg10[%dma_wait3A_356, %dma_wait3A_357] : memref<10240x128xbf16, #tpu.memory_space<vmem_shared>> -> memref<10240x128xbf16, #tpu.memory_space<vmem_shared>>
    tpu.wait_indirect_dma semaphore(%arg14 : memref<!tpu.dma_semaphore, #tpu.memory_space<semaphore_mem>>) src(%dma_wait3A_348 : memref<128x128xbf16, #tpu.memory_space<vmem>>) dst(%dma_wait3A_358 : memref<10240x128xbf16, #tpu.memory_space<vmem_shared>>)
    %dma_wait3A_359 = arith.constant 1 : i32
    %dma_wait3A_360 = arith.constant 1 : i32
    %dma_wait3A_361 = arith.constant 1 : i32
    %dma_wait3A_362 = arith.constant 0 : i32
    %dma_wait3A_363 = arith.constant 0 : i32
    %dma_wait3A_364 = tpu.memref_slice %arg8[%dma_wait3A_359, %dma_wait3A_362, %dma_wait3A_363] : memref<3x128x128xbf16, #tpu.memory_space<vmem>> -> memref<1x128x128xbf16, #tpu.memory_space<vmem>>
    %dma_wait3A_365 = tpu.memref_squeeze %dma_wait3A_364 : memref<1x128x128xbf16, #tpu.memory_space<vmem>> -> memref<128x128xbf16, #tpu.memory_space<vmem>>
    %dma_wait3A_366 = arith.constant 0 : i32
    %dma_wait3A_367 = arith.constant 0 : i32
    %dma_wait3A_368 = tpu.memref_slice %arg7[%dma_wait3A_360, %dma_wait3A_366, %dma_wait3A_367] : memref<2x3x128xi32, #tpu.memory_space<vmem>> -> memref<1x3x128xi32, #tpu.memory_space<vmem>>
    %dma_wait3A_369 = tpu.memref_squeeze %dma_wait3A_368 : memref<1x3x128xi32, #tpu.memory_space<vmem>> -> memref<3x128xi32, #tpu.memory_space<vmem>>
    %dma_wait3A_370 = arith.constant 0 : i32
    %dma_wait3A_371 = tpu.memref_slice %dma_wait3A_369[%dma_wait3A_361, %dma_wait3A_370] : memref<3x128xi32, #tpu.memory_space<vmem>> -> memref<1x128xi32, #tpu.memory_space<vmem>>
    %dma_wait3A_372 = tpu.memref_squeeze %dma_wait3A_371 : memref<1x128xi32, #tpu.memory_space<vmem>> -> memref<128xi32, #tpu.memory_space<vmem>>
    %dma_wait3A_373 = arith.constant 0 : i32
    %dma_wait3A_374 = arith.constant 0 : i32
    %dma_wait3A_375 = tpu.memref_slice %arg10[%dma_wait3A_373, %dma_wait3A_374] : memref<10240x128xbf16, #tpu.memory_space<vmem_shared>> -> memref<10240x128xbf16, #tpu.memory_space<vmem_shared>>
    tpu.wait_indirect_dma semaphore(%arg15 : memref<!tpu.dma_semaphore, #tpu.memory_space<semaphore_mem>>) src(%dma_wait3A_365 : memref<128x128xbf16, #tpu.memory_space<vmem>>) dst(%dma_wait3A_375 : memref<10240x128xbf16, #tpu.memory_space<vmem_shared>>)
    %dma_wait3A_376 = arith.constant 2 : i32
    %dma_wait3A_377 = arith.constant 1 : i32
    %dma_wait3A_378 = arith.constant 2 : i32
    %dma_wait3A_379 = arith.constant 0 : i32
    %dma_wait3A_380 = arith.constant 0 : i32
    %dma_wait3A_381 = tpu.memref_slice %arg8[%dma_wait3A_376, %dma_wait3A_379, %dma_wait3A_380] : memref<3x128x128xbf16, #tpu.memory_space<vmem>> -> memref<1x128x128xbf16, #tpu.memory_space<vmem>>
    %dma_wait3A_382 = tpu.memref_squeeze %dma_wait3A_381 : memref<1x128x128xbf16, #tpu.memory_space<vmem>> -> memref<128x128xbf16, #tpu.memory_space<vmem>>
    %dma_wait3A_383 = arith.constant 0 : i32
    %dma_wait3A_384 = arith.constant 0 : i32
    %dma_wait3A_385 = tpu.memref_slice %arg7[%dma_wait3A_377, %dma_wait3A_383, %dma_wait3A_384] : memref<2x3x128xi32, #tpu.memory_space<vmem>> -> memref<1x3x128xi32, #tpu.memory_space<vmem>>
    %dma_wait3A_386 = tpu.memref_squeeze %dma_wait3A_385 : memref<1x3x128xi32, #tpu.memory_space<vmem>> -> memref<3x128xi32, #tpu.memory_space<vmem>>
    %dma_wait3A_387 = arith.constant 0 : i32
    %dma_wait3A_388 = tpu.memref_slice %dma_wait3A_386[%dma_wait3A_378, %dma_wait3A_387] : memref<3x128xi32, #tpu.memory_space<vmem>> -> memref<1x128xi32, #tpu.memory_space<vmem>>
    %dma_wait3A_389 = tpu.memref_squeeze %dma_wait3A_388 : memref<1x128xi32, #tpu.memory_space<vmem>> -> memref<128xi32, #tpu.memory_space<vmem>>
    %dma_wait3A_390 = arith.constant 0 : i32
    %dma_wait3A_391 = arith.constant 0 : i32
    %dma_wait3A_392 = tpu.memref_slice %arg10[%dma_wait3A_390, %dma_wait3A_391] : memref<10240x128xbf16, #tpu.memory_space<vmem_shared>> -> memref<10240x128xbf16, #tpu.memory_space<vmem_shared>>
    tpu.wait_indirect_dma semaphore(%arg16 : memref<!tpu.dma_semaphore, #tpu.memory_space<semaphore_mem>>) src(%dma_wait3A_382 : memref<128x128xbf16, #tpu.memory_space<vmem>>) dst(%dma_wait3A_392 : memref<10240x128xbf16, #tpu.memory_space<vmem_shared>>)
    %lt3A_393 = arith.constant 2 : i32
    %lt3A_394 = arith.cmpi slt, %arg1, %lt3A_393 : i32
    %convert_element_type3A_395 = arith.extui %lt3A_394 : i1 to i32
    %cond3A_396 = arith.constant 0 : i32
    %cond3A_397 = arith.cmpi ne, %convert_element_type3A_395, %cond3A_396 : i32
    scf.if %cond3A_397 {
      %mul3A_406 = arith.constant 1250 : i32
      %mul3A_407 = arith.muli %arg0, %mul3A_406 : i32
      %add3A_408 = arith.constant 1248 : i32
      %add3A_409 = arith.addi %mul3A_407, %add3A_408 : i32
      %add3A_410 = arith.addi %add3A_409, %arg1 : i32
      %run_scoped3A_411 = arith.constant 0 : i32
      "tpu.region"() ({
        %run_scoped3A_481 = tpu.sem_alloc : memref<!tpu.dma_semaphore, #tpu.memory_space<semaphore_mem>>
        %dma_start3A_482 = arith.constant 0 : i32
        %dma_start3A_483 = arith.constant 0 : i32
        %dma_start3A_484 = tpu.memref_slice %arg6[%run_scoped3A_411, %dma_start3A_482, %dma_start3A_483] : memref<2x3x128xi32, #tpu.memory_space<vmem>> -> memref<1x3x128xi32, #tpu.memory_space<vmem>>
        %dma_start3A_485 = tpu.memref_squeeze %dma_start3A_484 : memref<1x3x128xi32, #tpu.memory_space<vmem>> -> memref<3x128xi32, #tpu.memory_space<vmem>>
        %dma_start3A_486 = arith.constant 0 : i32
        %dma_start3A_487 = arith.constant 0 : i32
        %dma_start3A_488 = tpu.memref_slice %dma_start3A_485[%dma_start3A_486, %dma_start3A_487] : memref<3x128xi32, #tpu.memory_space<vmem>> -> memref<1x128xi32, #tpu.memory_space<vmem>>
        %dma_start3A_489 = arith.constant 0 : i32
        %dma_start3A_490 = tpu.memref_slice %arg2[%add3A_410, %dma_start3A_489] : memref<2500x128xi32, #tpu.memory_space<hbm>> -> memref<1x128xi32, #tpu.memory_space<hbm>>
        %dma_start3A_491 = arith.constant 0 : i32
        %dma_start3A_492 = arith.constant 0 : i32
        %dma_start3A_493 = tpu.memref_slice %arg6[%run_scoped3A_411, %dma_start3A_491, %dma_start3A_492] : memref<2x3x128xi32, #tpu.memory_space<vmem>> -> memref<1x3x128xi32, #tpu.memory_space<vmem>>
        %dma_start3A_494 = tpu.memref_squeeze %dma_start3A_493 : memref<1x3x128xi32, #tpu.memory_space<vmem>> -> memref<3x128xi32, #tpu.memory_space<vmem>>
        %dma_start3A_495 = arith.constant 0 : i32
        %dma_start3A_496 = arith.constant 0 : i32
        %dma_start3A_497 = tpu.memref_slice %dma_start3A_494[%dma_start3A_495, %dma_start3A_496] : memref<3x128xi32, #tpu.memory_space<vmem>> -> memref<1x128xi32, #tpu.memory_space<vmem>>
        %dma_start3A_498 = arith.constant 0 : i32
        %dma_start3A_499 = tpu.memref_slice %arg2[%add3A_410, %dma_start3A_498] : memref<2500x128xi32, #tpu.memory_space<hbm>> -> memref<1x128xi32, #tpu.memory_space<hbm>>
        tpu.enqueue_dma source(%dma_start3A_499 : memref<1x128xi32, #tpu.memory_space<hbm>>) target(%dma_start3A_497 : memref<1x128xi32, #tpu.memory_space<vmem>>) target_semaphore(%run_scoped3A_481 : memref<!tpu.dma_semaphore, #tpu.memory_space<semaphore_mem>>)
        %dma_wait3A_500 = arith.constant 0 : i32
        %dma_wait3A_501 = arith.constant 0 : i32
        %dma_wait3A_502 = tpu.memref_slice %arg6[%run_scoped3A_411, %dma_wait3A_500, %dma_wait3A_501] : memref<2x3x128xi32, #tpu.memory_space<vmem>> -> memref<1x3x128xi32, #tpu.memory_space<vmem>>
        %dma_wait3A_503 = tpu.memref_squeeze %dma_wait3A_502 : memref<1x3x128xi32, #tpu.memory_space<vmem>> -> memref<3x128xi32, #tpu.memory_space<vmem>>
        %dma_wait3A_504 = arith.constant 0 : i32
        %dma_wait3A_505 = arith.constant 0 : i32
        %dma_wait3A_506 = tpu.memref_slice %dma_wait3A_503[%dma_wait3A_504, %dma_wait3A_505] : memref<3x128xi32, #tpu.memory_space<vmem>> -> memref<1x128xi32, #tpu.memory_space<vmem>>
        %dma_wait3A_507 = arith.constant 0 : i32
        %dma_wait3A_508 = tpu.memref_slice %arg2[%add3A_410, %dma_wait3A_507] : memref<2500x128xi32, #tpu.memory_space<hbm>> -> memref<1x128xi32, #tpu.memory_space<hbm>>
        %dma_wait3A_509 = arith.constant 0 : i32
        %dma_wait3A_510 = arith.constant 0 : i32
        %dma_wait3A_511 = tpu.memref_slice %arg6[%run_scoped3A_411, %dma_wait3A_509, %dma_wait3A_510] : memref<2x3x128xi32, #tpu.memory_space<vmem>> -> memref<1x3x128xi32, #tpu.memory_space<vmem>>
        %dma_wait3A_512 = tpu.memref_squeeze %dma_wait3A_511 : memref<1x3x128xi32, #tpu.memory_space<vmem>> -> memref<3x128xi32, #tpu.memory_space<vmem>>
        %dma_wait3A_513 = arith.constant 0 : i32
        %dma_wait3A_514 = arith.constant 0 : i32
        %dma_wait3A_515 = tpu.memref_slice %dma_wait3A_512[%dma_wait3A_513, %dma_wait3A_514] : memref<3x128xi32, #tpu.memory_space<vmem>> -> memref<1x128xi32, #tpu.memory_space<vmem>>
        %dma_wait3A_516 = arith.constant 0 : i32
        %dma_wait3A_517 = tpu.memref_slice %arg2[%add3A_410, %dma_wait3A_516] : memref<2500x128xi32, #tpu.memory_space<hbm>> -> memref<1x128xi32, #tpu.memory_space<hbm>>
        tpu.wait_dma2 semaphore(%run_scoped3A_481 : memref<!tpu.dma_semaphore, #tpu.memory_space<semaphore_mem>>) src(%dma_wait3A_517 : memref<1x128xi32, #tpu.memory_space<hbm>>) dst(%dma_wait3A_515 : memref<1x128xi32, #tpu.memory_space<vmem>>)
        tpu.yield
      }) : () -> ()
      %run_scoped3A_412 = arith.constant 0 : i32
      "tpu.region"() ({
        %run_scoped3A_481 = tpu.sem_alloc : memref<!tpu.dma_semaphore, #tpu.memory_space<semaphore_mem>>
        %dma_start3A_482 = arith.constant 0 : i32
        %dma_start3A_483 = arith.constant 0 : i32
        %dma_start3A_484 = tpu.memref_slice %arg7[%run_scoped3A_412, %dma_start3A_482, %dma_start3A_483] : memref<2x3x128xi32, #tpu.memory_space<vmem>> -> memref<1x3x128xi32, #tpu.memory_space<vmem>>
        %dma_start3A_485 = tpu.memref_squeeze %dma_start3A_484 : memref<1x3x128xi32, #tpu.memory_space<vmem>> -> memref<3x128xi32, #tpu.memory_space<vmem>>
        %dma_start3A_486 = arith.constant 0 : i32
        %dma_start3A_487 = arith.constant 0 : i32
        %dma_start3A_488 = tpu.memref_slice %dma_start3A_485[%dma_start3A_486, %dma_start3A_487] : memref<3x128xi32, #tpu.memory_space<vmem>> -> memref<1x128xi32, #tpu.memory_space<vmem>>
        %dma_start3A_489 = arith.constant 0 : i32
        %dma_start3A_490 = tpu.memref_slice %arg3[%add3A_410, %dma_start3A_489] : memref<2500x128xi32, #tpu.memory_space<hbm>> -> memref<1x128xi32, #tpu.memory_space<hbm>>
        %dma_start3A_491 = arith.constant 0 : i32
        %dma_start3A_492 = arith.constant 0 : i32
        %dma_start3A_493 = tpu.memref_slice %arg7[%run_scoped3A_412, %dma_start3A_491, %dma_start3A_492] : memref<2x3x128xi32, #tpu.memory_space<vmem>> -> memref<1x3x128xi32, #tpu.memory_space<vmem>>
        %dma_start3A_494 = tpu.memref_squeeze %dma_start3A_493 : memref<1x3x128xi32, #tpu.memory_space<vmem>> -> memref<3x128xi32, #tpu.memory_space<vmem>>
        %dma_start3A_495 = arith.constant 0 : i32
        %dma_start3A_496 = arith.constant 0 : i32
        %dma_start3A_497 = tpu.memref_slice %dma_start3A_494[%dma_start3A_495, %dma_start3A_496] : memref<3x128xi32, #tpu.memory_space<vmem>> -> memref<1x128xi32, #tpu.memory_space<vmem>>
        %dma_start3A_498 = arith.constant 0 : i32
        %dma_start3A_499 = tpu.memref_slice %arg3[%add3A_410, %dma_start3A_498] : memref<2500x128xi32, #tpu.memory_space<hbm>> -> memref<1x128xi32, #tpu.memory_space<hbm>>
        tpu.enqueue_dma source(%dma_start3A_499 : memref<1x128xi32, #tpu.memory_space<hbm>>) target(%dma_start3A_497 : memref<1x128xi32, #tpu.memory_space<vmem>>) target_semaphore(%run_scoped3A_481 : memref<!tpu.dma_semaphore, #tpu.memory_space<semaphore_mem>>)
        %dma_wait3A_500 = arith.constant 0 : i32
        %dma_wait3A_501 = arith.constant 0 : i32
        %dma_wait3A_502 = tpu.memref_slice %arg7[%run_scoped3A_412, %dma_wait3A_500, %dma_wait3A_501] : memref<2x3x128xi32, #tpu.memory_space<vmem>> -> memref<1x3x128xi32, #tpu.memory_space<vmem>>
        %dma_wait3A_503 = tpu.memref_squeeze %dma_wait3A_502 : memref<1x3x128xi32, #tpu.memory_space<vmem>> -> memref<3x128xi32, #tpu.memory_space<vmem>>
        %dma_wait3A_504 = arith.constant 0 : i32
        %dma_wait3A_505 = arith.constant 0 : i32
        %dma_wait3A_506 = tpu.memref_slice %dma_wait3A_503[%dma_wait3A_504, %dma_wait3A_505] : memref<3x128xi32, #tpu.memory_space<vmem>> -> memref<1x128xi32, #tpu.memory_space<vmem>>
        %dma_wait3A_507 = arith.constant 0 : i32
        %dma_wait3A_508 = tpu.memref_slice %arg3[%add3A_410, %dma_wait3A_507] : memref<2500x128xi32, #tpu.memory_space<hbm>> -> memref<1x128xi32, #tpu.memory_space<hbm>>
        %dma_wait3A_509 = arith.constant 0 : i32
        %dma_wait3A_510 = arith.constant 0 : i32
        %dma_wait3A_511 = tpu.memref_slice %arg7[%run_scoped3A_412, %dma_wait3A_509, %dma_wait3A_510] : memref<2x3x128xi32, #tpu.memory_space<vmem>> -> memref<1x3x128xi32, #tpu.memory_space<vmem>>
        %dma_wait3A_512 = tpu.memref_squeeze %dma_wait3A_511 : memref<1x3x128xi32, #tpu.memory_space<vmem>> -> memref<3x128xi32, #tpu.memory_space<vmem>>
        %dma_wait3A_513 = arith.constant 0 : i32
        %dma_wait3A_514 = arith.constant 0 : i32
        %dma_wait3A_515 = tpu.memref_slice %dma_wait3A_512[%dma_wait3A_513, %dma_wait3A_514] : memref<3x128xi32, #tpu.memory_space<vmem>> -> memref<1x128xi32, #tpu.memory_space<vmem>>
        %dma_wait3A_516 = arith.constant 0 : i32
        %dma_wait3A_517 = tpu.memref_slice %arg3[%add3A_410, %dma_wait3A_516] : memref<2500x128xi32, #tpu.memory_space<hbm>> -> memref<1x128xi32, #tpu.memory_space<hbm>>
        tpu.wait_dma2 semaphore(%run_scoped3A_481 : memref<!tpu.dma_semaphore, #tpu.memory_space<semaphore_mem>>) src(%dma_wait3A_517 : memref<1x128xi32, #tpu.memory_space<hbm>>) dst(%dma_wait3A_515 : memref<1x128xi32, #tpu.memory_space<vmem>>)
        tpu.yield
      }) : () -> ()
      %dma_start3A_413 = arith.constant 0 : i32
      %dma_start3A_414 = arith.constant 0 : i32
      %dma_start3A_415 = arith.constant 0 : i32
      %dma_start3A_416 = arith.constant 0 : i32
      %dma_start3A_417 = arith.constant 0 : i32
      %dma_start3A_418 = tpu.memref_slice %arg8[%dma_start3A_415, %dma_start3A_416, %dma_start3A_417] : memref<3x128x128xbf16, #tpu.memory_space<vmem>> -> memref<1x128x128xbf16, #tpu.memory_space<vmem>>
      %dma_start3A_419 = tpu.memref_squeeze %dma_start3A_418 : memref<1x128x128xbf16, #tpu.memory_space<vmem>> -> memref<128x128xbf16, #tpu.memory_space<vmem>>
      %dma_start3A_420 = arith.constant 0 : i32
      %dma_start3A_421 = arith.constant 0 : i32
      %dma_start3A_422 = tpu.memref_slice %arg6[%dma_start3A_413, %dma_start3A_420, %dma_start3A_421] : memref<2x3x128xi32, #tpu.memory_space<vmem>> -> memref<1x3x128xi32, #tpu.memory_space<vmem>>
      %dma_start3A_423 = tpu.memref_squeeze %dma_start3A_422 : memref<1x3x128xi32, #tpu.memory_space<vmem>> -> memref<3x128xi32, #tpu.memory_space<vmem>>
      %dma_start3A_424 = arith.constant 0 : i32
      %dma_start3A_425 = tpu.memref_slice %dma_start3A_423[%dma_start3A_414, %dma_start3A_424] : memref<3x128xi32, #tpu.memory_space<vmem>> -> memref<1x128xi32, #tpu.memory_space<vmem>>
      %dma_start3A_426 = tpu.memref_squeeze %dma_start3A_425 : memref<1x128xi32, #tpu.memory_space<vmem>> -> memref<128xi32, #tpu.memory_space<vmem>>
      %dma_start3A_427 = arith.constant 0 : i32
      %dma_start3A_428 = arith.constant 0 : i32
      %dma_start3A_429 = tpu.memref_slice %arg9[%dma_start3A_427, %dma_start3A_428] : memref<10240x128xbf16, #tpu.memory_space<vmem_shared>> -> memref<10240x128xbf16, #tpu.memory_space<vmem_shared>>
      tpu.enqueue_indirect_dma source(%dma_start3A_429 : memref<10240x128xbf16, #tpu.memory_space<vmem_shared>>) target(%dma_start3A_419 : memref<128x128xbf16, #tpu.memory_space<vmem>>) offsets(%dma_start3A_426 : memref<128xi32, #tpu.memory_space<vmem>>) semaphore(%arg11 : memref<!tpu.dma_semaphore, #tpu.memory_space<semaphore_mem>>)
      %dma_wait3A_430 = arith.constant 0 : i32
      %dma_wait3A_431 = arith.constant 0 : i32
      %dma_wait3A_432 = arith.constant 0 : i32
      %dma_wait3A_433 = arith.constant 0 : i32
      %dma_wait3A_434 = arith.constant 0 : i32
      %dma_wait3A_435 = tpu.memref_slice %arg8[%dma_wait3A_432, %dma_wait3A_433, %dma_wait3A_434] : memref<3x128x128xbf16, #tpu.memory_space<vmem>> -> memref<1x128x128xbf16, #tpu.memory_space<vmem>>
      %dma_wait3A_436 = tpu.memref_squeeze %dma_wait3A_435 : memref<1x128x128xbf16, #tpu.memory_space<vmem>> -> memref<128x128xbf16, #tpu.memory_space<vmem>>
      %dma_wait3A_437 = arith.constant 0 : i32
      %dma_wait3A_438 = arith.constant 0 : i32
      %dma_wait3A_439 = tpu.memref_slice %arg6[%dma_wait3A_430, %dma_wait3A_437, %dma_wait3A_438] : memref<2x3x128xi32, #tpu.memory_space<vmem>> -> memref<1x3x128xi32, #tpu.memory_space<vmem>>
      %dma_wait3A_440 = tpu.memref_squeeze %dma_wait3A_439 : memref<1x3x128xi32, #tpu.memory_space<vmem>> -> memref<3x128xi32, #tpu.memory_space<vmem>>
      %dma_wait3A_441 = arith.constant 0 : i32
      %dma_wait3A_442 = tpu.memref_slice %dma_wait3A_440[%dma_wait3A_431, %dma_wait3A_441] : memref<3x128xi32, #tpu.memory_space<vmem>> -> memref<1x128xi32, #tpu.memory_space<vmem>>
      %dma_wait3A_443 = tpu.memref_squeeze %dma_wait3A_442 : memref<1x128xi32, #tpu.memory_space<vmem>> -> memref<128xi32, #tpu.memory_space<vmem>>
      %dma_wait3A_444 = arith.constant 0 : i32
      %dma_wait3A_445 = arith.constant 0 : i32
      %dma_wait3A_446 = tpu.memref_slice %arg9[%dma_wait3A_444, %dma_wait3A_445] : memref<10240x128xbf16, #tpu.memory_space<vmem_shared>> -> memref<10240x128xbf16, #tpu.memory_space<vmem_shared>>
      tpu.wait_indirect_dma semaphore(%arg11 : memref<!tpu.dma_semaphore, #tpu.memory_space<semaphore_mem>>) src(%dma_wait3A_446 : memref<10240x128xbf16, #tpu.memory_space<vmem_shared>>) dst(%dma_wait3A_436 : memref<128x128xbf16, #tpu.memory_space<vmem>>)
      %dma_start3A_447 = arith.constant 0 : i32
      %dma_start3A_448 = arith.constant 0 : i32
      %dma_start3A_449 = arith.constant 0 : i32
      %dma_start3A_450 = arith.constant 0 : i32
      %dma_start3A_451 = arith.constant 0 : i32
      %dma_start3A_452 = tpu.memref_slice %arg8[%dma_start3A_447, %dma_start3A_450, %dma_start3A_451] : memref<3x128x128xbf16, #tpu.memory_space<vmem>> -> memref<1x128x128xbf16, #tpu.memory_space<vmem>>
      %dma_start3A_453 = tpu.memref_squeeze %dma_start3A_452 : memref<1x128x128xbf16, #tpu.memory_space<vmem>> -> memref<128x128xbf16, #tpu.memory_space<vmem>>
      %dma_start3A_454 = arith.constant 0 : i32
      %dma_start3A_455 = arith.constant 0 : i32
      %dma_start3A_456 = tpu.memref_slice %arg7[%dma_start3A_448, %dma_start3A_454, %dma_start3A_455] : memref<2x3x128xi32, #tpu.memory_space<vmem>> -> memref<1x3x128xi32, #tpu.memory_space<vmem>>
      %dma_start3A_457 = tpu.memref_squeeze %dma_start3A_456 : memref<1x3x128xi32, #tpu.memory_space<vmem>> -> memref<3x128xi32, #tpu.memory_space<vmem>>
      %dma_start3A_458 = arith.constant 0 : i32
      %dma_start3A_459 = tpu.memref_slice %dma_start3A_457[%dma_start3A_449, %dma_start3A_458] : memref<3x128xi32, #tpu.memory_space<vmem>> -> memref<1x128xi32, #tpu.memory_space<vmem>>
      %dma_start3A_460 = tpu.memref_squeeze %dma_start3A_459 : memref<1x128xi32, #tpu.memory_space<vmem>> -> memref<128xi32, #tpu.memory_space<vmem>>
      %dma_start3A_461 = arith.constant 0 : i32
      %dma_start3A_462 = arith.constant 0 : i32
      %dma_start3A_463 = tpu.memref_slice %arg10[%dma_start3A_461, %dma_start3A_462] : memref<10240x128xbf16, #tpu.memory_space<vmem_shared>> -> memref<10240x128xbf16, #tpu.memory_space<vmem_shared>>
      tpu.enqueue_indirect_dma source(%dma_start3A_453 : memref<128x128xbf16, #tpu.memory_space<vmem>>) target(%dma_start3A_463 : memref<10240x128xbf16, #tpu.memory_space<vmem_shared>>) offsets(%dma_start3A_460 : memref<128xi32, #tpu.memory_space<vmem>>) semaphore(%arg14 : memref<!tpu.dma_semaphore, #tpu.memory_space<semaphore_mem>>) {add = true}
      %dma_wait3A_464 = arith.constant 0 : i32
      %dma_wait3A_465 = arith.constant 0 : i32
      %dma_wait3A_466 = arith.constant 0 : i32
      %dma_wait3A_467 = arith.constant 0 : i32
      %dma_wait3A_468 = arith.constant 0 : i32
      %dma_wait3A_469 = tpu.memref_slice %arg8[%dma_wait3A_464, %dma_wait3A_467, %dma_wait3A_468] : memref<3x128x128xbf16, #tpu.memory_space<vmem>> -> memref<1x128x128xbf16, #tpu.memory_space<vmem>>
      %dma_wait3A_470 = tpu.memref_squeeze %dma_wait3A_469 : memref<1x128x128xbf16, #tpu.memory_space<vmem>> -> memref<128x128xbf16, #tpu.memory_space<vmem>>
      %dma_wait3A_471 = arith.constant 0 : i32
      %dma_wait3A_472 = arith.constant 0 : i32
      %dma_wait3A_473 = tpu.memref_slice %arg7[%dma_wait3A_465, %dma_wait3A_471, %dma_wait3A_472] : memref<2x3x128xi32, #tpu.memory_space<vmem>> -> memref<1x3x128xi32, #tpu.memory_space<vmem>>
      %dma_wait3A_474 = tpu.memref_squeeze %dma_wait3A_473 : memref<1x3x128xi32, #tpu.memory_space<vmem>> -> memref<3x128xi32, #tpu.memory_space<vmem>>
      %dma_wait3A_475 = arith.constant 0 : i32
      %dma_wait3A_476 = tpu.memref_slice %dma_wait3A_474[%dma_wait3A_466, %dma_wait3A_475] : memref<3x128xi32, #tpu.memory_space<vmem>> -> memref<1x128xi32, #tpu.memory_space<vmem>>
      %dma_wait3A_477 = tpu.memref_squeeze %dma_wait3A_476 : memref<1x128xi32, #tpu.memory_space<vmem>> -> memref<128xi32, #tpu.memory_space<vmem>>
      %dma_wait3A_478 = arith.constant 0 : i32
      %dma_wait3A_479 = arith.constant 0 : i32
      %dma_wait3A_480 = tpu.memref_slice %arg10[%dma_wait3A_478, %dma_wait3A_479] : memref<10240x128xbf16, #tpu.memory_space<vmem_shared>> -> memref<10240x128xbf16, #tpu.memory_space<vmem_shared>>
      tpu.wait_indirect_dma semaphore(%arg14 : memref<!tpu.dma_semaphore, #tpu.memory_space<semaphore_mem>>) src(%dma_wait3A_470 : memref<128x128xbf16, #tpu.memory_space<vmem>>) dst(%dma_wait3A_480 : memref<10240x128xbf16, #tpu.memory_space<vmem_shared>>)
    } else {
    }
    %barrier3A_398 = arith.constant 0 : index
    tpu.barrier barrier_id(%barrier3A_398)
    %mul3A_399 = arith.constant 640 : i32
    %mul3A_400 = arith.muli %arg1, %mul3A_399 : i32
    %mul3A_401 = arith.constant 10240 : i32
    %mul3A_402 = arith.muli %arg0, %mul3A_401 : i32
    %mul3A_403 = arith.constant 640 : i32
    %mul3A_404 = arith.muli %arg1, %mul3A_403 : i32
    %add3A_405 = arith.addi %mul3A_402, %mul3A_404 : i32
    "tpu.region"() ({
      %run_scoped3A_406 = tpu.sem_alloc : memref<!tpu.dma_semaphore, #tpu.memory_space<semaphore_mem>>
      %dma_start3A_407 = arith.constant 0 : i32
      %dma_start3A_408 = tpu.memref_slice %arg5[%add3A_405, %dma_start3A_407] : memref<20480x128xbf16, #tpu.memory_space<hbm>> -> memref<640x128xbf16, #tpu.memory_space<hbm>>
      %dma_start3A_409 = arith.constant 0 : i32
      %dma_start3A_410 = tpu.memref_slice %arg10[%mul3A_400, %dma_start3A_409] : memref<10240x128xbf16, #tpu.memory_space<vmem_shared>> -> memref<640x128xbf16, #tpu.memory_space<vmem_shared>>
      tpu.enqueue_dma source(%dma_start3A_410 : memref<640x128xbf16, #tpu.memory_space<vmem_shared>>) target(%dma_start3A_408 : memref<640x128xbf16, #tpu.memory_space<hbm>>) target_semaphore(%run_scoped3A_406 : memref<!tpu.dma_semaphore, #tpu.memory_space<semaphore_mem>>)
      %dma_wait3A_411 = arith.constant 0 : i32
      %dma_wait3A_412 = tpu.memref_slice %arg5[%add3A_405, %dma_wait3A_411] : memref<20480x128xbf16, #tpu.memory_space<hbm>> -> memref<640x128xbf16, #tpu.memory_space<hbm>>
      %dma_wait3A_413 = arith.constant 0 : i32
      %dma_wait3A_414 = tpu.memref_slice %arg10[%mul3A_400, %dma_wait3A_413] : memref<10240x128xbf16, #tpu.memory_space<vmem_shared>> -> memref<640x128xbf16, #tpu.memory_space<vmem_shared>>
      tpu.wait_dma2 semaphore(%run_scoped3A_406 : memref<!tpu.dma_semaphore, #tpu.memory_space<semaphore_mem>>) src(%dma_wait3A_414 : memref<640x128xbf16, #tpu.memory_space<vmem_shared>>) dst(%dma_wait3A_412 : memref<640x128xbf16, #tpu.memory_space<hbm>>)
      tpu.yield
    }) : () -> ()
    return
  }
}

module attributes {stable_mosaic.version = 14 : i64} {
  func.func @body(%arg0: i32, %arg1: memref<2x2000x128xbf16, #tpu.memory_space<vmem>>, %arg2: memref<128x128xf32, #tpu.memory_space<vmem>>, %arg3: memref<1x128xf32, #tpu.memory_space<vmem>>, %arg4: memref<2000x128xf32, #tpu.memory_space<vmem>>) attributes {dimension_semantics = [#tpu.dimension_semantics<arbitrary>], iteration_bounds = array<i64: 5>, scalar_prefetch = 0 : i64, scratch_operands = 0 : i64, tpu.core_type = #tpu.core_type<tc>, window_params = [{transform_indices = @transform_0, window_bounds = array<i64: 2, 2000, 128>}, {pipeline_mode = #tpu.pipeline_mode<synchronous>, transform_indices = @transform_1, window_bounds = array<i64: 128, 128>}, {pipeline_mode = #tpu.pipeline_mode<synchronous>, transform_indices = @transform_2, window_bounds = array<i64: 1, 128>}, {transform_indices = @transform_3, window_bounds = array<i64: 2000, 128>}]} {
    %get3A = arith.constant 0 : index
    %get3A_0 = arith.constant 0 : index
    %get3A_1 = arith.constant 0 : index
    %get3A_2 = vector.load %arg1[%get3A, %get3A_0, %get3A_1] : memref<2x2000x128xbf16, #tpu.memory_space<vmem>>, vector<1x2000x128xbf16>
    %get3A_3 = vector.shape_cast %get3A_2 : vector<1x2000x128xbf16> to vector<2000x128xbf16>
    %convert_element_type3A = arith.extf %get3A_3 : vector<2000x128xbf16> to vector<2000x128xf32>
    %get3A_4 = arith.constant 1 : index
    %get3A_5 = arith.constant 0 : index
    %get3A_6 = arith.constant 0 : index
    %get3A_7 = vector.load %arg1[%get3A_4, %get3A_5, %get3A_6] : memref<2x2000x128xbf16, #tpu.memory_space<vmem>>, vector<1x2000x128xbf16>
    %get3A_8 = vector.shape_cast %get3A_7 : vector<1x2000x128xbf16> to vector<2000x128xbf16>
    %convert_element_type3A_9 = arith.extf %get3A_8 : vector<2000x128xbf16> to vector<2000x128xf32>
    %add3A = arith.addf %convert_element_type3A, %convert_element_type3A_9 : vector<2000x128xf32>
    %get3A_10 = arith.constant 0 : index
    %get3A_11 = arith.constant 0 : index
    %get3A_12 = vector.load %arg2[%get3A_10, %get3A_11] : memref<128x128xf32, #tpu.memory_space<vmem>>, vector<128x128xf32>
    %dot_general3A = arith.constant dense<0.000000e+00> : vector<2000x128xf32>
    %dot_general3A_13 = tpu.matmul %add3A, %get3A_12, %dot_general3A {dimension_numbers = #tpu.dot_dimension_numbers<[1], [0], [0], [1], [0, 0, 1, 1], [], []>, transpose_lhs_hint = false} : vector<2000x128xf32>, vector<128x128xf32>, vector<2000x128xf32> -> vector<2000x128xf32>
    %get3A_14 = arith.constant 0 : index
    %get3A_15 = arith.constant 0 : index
    %get3A_16 = vector.load %arg3[%get3A_14, %get3A_15] : memref<1x128xf32, #tpu.memory_space<vmem>>, vector<1x128xf32>
    %add3A_17 = vector.broadcast %get3A_16 : vector<1x128xf32> to vector<2000x128xf32>
    %add3A_18 = arith.addf %dot_general3A_13, %add3A_17 : vector<2000x128xf32>
    %swap3A = arith.constant 0 : index
    %swap3A_19 = arith.constant 0 : index
    %swap3A_20 = vector.load %arg4[%swap3A, %swap3A_19] : memref<2000x128xf32, #tpu.memory_space<vmem>>, vector<2000x128xf32>
    tpu.vector_store %arg4[%swap3A, %swap3A_19], %add3A_18 {strides = array<i32>} : memref<2000x128xf32, #tpu.memory_space<vmem>>, vector<2000x128xf32>,
    return
  }
  func.func @transform_0(%arg0: i32) -> (i32, i32, i32) {
    %c0_i32 = arith.constant 0 : i32
    %c0_i32_0 = arith.constant 0 : i32
    %c0_i32_1 = arith.constant 0 : i32
    return %c0_i32, %arg0, %c0_i32_0 : i32, i32, i32
  }
  func.func @transform_1(%arg0: i32) -> (i32, i32) {
    %c0_i32 = arith.constant 0 : i32
    %c0_i32_0 = arith.constant 0 : i32
    %c0_i32_1 = arith.constant 0 : i32
    return %c0_i32, %c0_i32_0 : i32, i32
  }
  func.func @transform_2(%arg0: i32) -> (i32, i32) {
    %c0_i32 = arith.constant 0 : i32
    %c0_i32_0 = arith.constant 0 : i32
    %c0_i32_1 = arith.constant 0 : i32
    return %c0_i32, %c0_i32_0 : i32, i32
  }
  func.func @transform_3(%arg0: i32) -> (i32, i32) {
    %c0_i32 = arith.constant 0 : i32
    %c0_i32_0 = arith.constant 0 : i32
    return %arg0, %c0_i32 : i32, i32
  }
}

</mosaic_0001>

<sc_bundles>
// kernel: kernel.4.cloned.1.call-start
scs
__scs_entry_jumppad:
0x0: {  	(pc) =	sbr.rel $0x88, $3  }
0x1: {  	(tag) =	ssettag $0x0;
	lr =	simm.s32 $0x1  }
0x2: {  	[smem:$0x3F9D] =	sst lr;
	_ =	strace $0xD0000000  }
0x3: {  	_ = 	snop  }
0x4: {  	_ = 	snop  }
0x5: {  	_ = 	snop  }
0x6: {  	_ = 	snop  }
0x7: {  	_ = 	snop  }
__scs_overlays_trampoline_lowered:
0x8: {  	[smem:$0x3FAC] =	sst s0  }
0x9: {  	[smem:$0x3FAD] =	sst s1  }
0xa: {  	[smem:$0x3FAE] =	sst s2  }
0xb: {  	[smem:$0x3FAF] =	sst s3  }
0xc: {  	[smem:$0x3FB0] =	sst s4  }
0xd: {  	[smem:$0x3FB1] =	sst s5  }
0xe: {  	[smem:$0x3FB2] =	sst s6  }
0xf: {  	[smem:$0x3FB3] =	sst s7  }
0x10: {  	[smem:$0x3FB4] =	sst s8  }
0x11: {  	[smem:$0x3FB5] =	sst s9;
	s0 =	simm.s32 @!p0 $0x0  }
0x12: {  	s1 =	sld [smem:$0x3F9B];
	s0 =	simm.s32 @p0 $0x1  }
0x13: {  	[smem:$0x3FB6] =	sst s0;
	s0 =	simm.s32 @!p1 $0x0  }
0x14: {  	s2 =	sld [smem:$0x3F9A];
	s0 =	simm.s32 @p1 $0x1  }
0x15: {  	[smem:$0x3FB7] =	sst s0;
	s0 =	simm.s32 @!p2 $0x0  }
0x16: {  	s3 =	sld [smem:$0x3FDB];
	s0 =	simm.s32 @p2 $0x1  }
0x17: {  	s4 =	simm.s32 $0x1BF5;
	[smem:$0x3FB9] =	sst s0  }
0x18: {  	s0 =	sld [smem:$0x3F9C];
	_ =	swait.ge [sflag:s4], $0x0  }
0x19: {  	s7 =	sld [smem:$0x3F9D]  }
0x1a: {  	s8 =	sadd.s32 $0xFFFFE003, lr  }
0x1b: {  	s9 =	sadd.s32 $0xFFFFFEF7, lr;
	s5 =	simm.s32 $0xFFFFFFFF;
	p2 =	slt.u32 s8, $0xFFFFF086  }
0x1c: {  	p1 =	slt.u32 s9, $0xF7A;
	s5 =	simm.s32 @!p2 $0x0  }
0x1d: {  	s5 =	simm.s32 @p1 $0x1;
	p0 =	seq.s32 s7, s2  }
0x1e: {  	s7 =	smul.u32 @!p0 $0xF7A, s2;
	p2 =	seq.s32 @!p0 s5, $0x0  }
0x1f: {  	s9 =	smul.u32 $0xF7A, s1;
	s8 =	simm.s32 @!p0 $0x1BF5;
	p2 =	por !p2, p0  }
0x20: {  	[sflag:s8] =	ssyncset.s32 @!p0 $0xFFFFF086;
	s6 =	sadd.s32 @!p0 s3, s7;
	s7 =	simm.s32 @!p0 $0x108  }
0x21: {  	s3 =	sadd.s32 s3, s9;
	s6 =	sadd.s32 @!p0 $0x88, s6;
	s7 =	simm.s32 @p2 $0x1082  }
0x22: {  	[simem:s7], [sflag:s8] =	dma.local @!p0 [hbm:s6], $0xF7A  }
0x23: {  	s9 =	sor.u32 $0xD0000000, s2;
	s6 =	simm.s32 $0x108;
	_ =	swait.ge @!p0 [sflag:s8], $0x0  }
0x24: {  	s3 =	sadd.s32 $0x88, s3;
	s6 =	simm.s32 @!p1 $0x1082;
	[sflag:s4] =	ssyncset.s32 $0xFFFFF086  }
0x25: {  	[simem:s6], [sflag:s4] =	dma.local [hbm:s3], $0xF7A  }
0x26: {  	[smem:$0x3F9D] =	sst s1;
	(tag) =	ssettag s2;
	_ =	strace s9  }
0x27: {  	s1 =	sld [smem:$0x3FAD]  }
0x28: {  	s2 =	sld [smem:$0x3FAE]  }
0x29: {  	s4 =	sld [smem:$0x3FB0]  }
0x2a: {  	p0 =	seq.s32 s5, $0x0;
	s5 =	sld [smem:$0x3FB1]  }
0x2b: {  	s6 =	sld [smem:$0x3FB2]  }
0x2c: {  	s7 =	sld [smem:$0x3FB3]  }
0x2d: {  	s3 =	simm.s32 $0x108;
	s8 =	sld [smem:$0x3FB4]  }
0x2e: {  	s3 =	simm.s32 @!p0 $0x1082;
	s9 =	sld [smem:$0x3FB5]  }
0x2f: {  	lr =	sadd.s32 s0, s3;
	s0 =	sld [smem:$0x3FAC]  }
0x30: {  	s3 =	sld [smem:$0x3FAF]  }
0x31: {  	[smem:$0x3FB8] =	sst s10  }
0x32: {  	s10 =	sld [smem:$0x3FB6];
	_ =	sdelay $0x3  }
0x33: {  	p0 =	seq.s32 s10, $0x1;
	s10 =	sld [smem:$0x3FB8];
	_ =	sdelay $0x3  }
0x34: {  	[smem:$0x3FB8] =	sst s10  }
0x35: {  	s10 =	sld [smem:$0x3FB7];
	_ =	sdelay $0x3  }
0x36: {  	p1 =	seq.s32 s10, $0x1;
	s10 =	sld [smem:$0x3FB8];
	_ =	sdelay $0x3  }
0x37: {  	[smem:$0x3FB8] =	sst s10  }
0x38: {  	s10 =	sld [smem:$0x3FB9]  }
0x39: {  	_ = 	snop;
	(pc) =	sbr.ind lr, $3  }
0x3a: {  	_ = 	snop  }
0x3b: {  	_ = 	snop  }
0x3c: {  	p2 =	seq.s32 s10, $0x1;
	s10 =	sld [smem:$0x3FB8]  }
0x3d: {  	_ =	shalt  }
0x3e: {  	_ =	shalt  }
0x3f: {  	_ =	shalt  }
0x40: {  	_ =	shalt  }
0x41: {  	_ =	shalt  }
0x42: {  	_ =	shalt  }
0x43: {  	_ =	shalt  }
0x44: {  	_ =	shalt  }
0x45: {  	_ =	shalt  }
0x46: {  	_ =	shalt  }
0x47: {  	_ =	shalt  }
0x48: {  	_ =	shalt  }
0x49: {  	_ =	shalt  }
0x4a: {  	_ =	shalt  }
0x4b: {  	_ =	shalt  }
0x4c: {  	_ =	shalt  }
0x4d: {  	_ =	shalt  }
0x4e: {  	_ =	shalt  }
0x4f: {  	_ =	shalt  }
0x50: {  	_ =	shalt  }
0x51: {  	_ =	shalt  }
0x52: {  	_ =	shalt  }
0x53: {  	_ =	shalt  }
0x54: {  	_ =	shalt  }
0x55: {  	_ =	shalt  }
0x56: {  	_ =	shalt  }
0x57: {  	_ =	shalt  }
0x58: {  	_ =	shalt  }
0x59: {  	_ =	shalt  }
0x5a: {  	_ =	shalt  }
0x5b: {  	_ =	shalt  }
0x5c: {  	_ =	shalt  }
0x5d: {  	_ =	shalt  }
0x5e: {  	_ =	shalt  }
0x5f: {  	_ =	shalt  }
0x60: {  	_ =	shalt  }
0x61: {  	_ =	shalt  }
0x62: {  	_ =	shalt  }
0x63: {  	_ =	shalt  }
0x64: {  	_ =	shalt  }
0x65: {  	_ =	shalt  }
0x66: {  	_ =	shalt  }
0x67: {  	_ =	shalt  }
0x68: {  	_ =	shalt  }
0x69: {  	_ =	shalt  }
0x6a: {  	_ =	shalt  }
0x6b: {  	_ =	shalt  }
0x6c: {  	_ =	shalt  }
0x6d: {  	_ =	shalt  }
0x6e: {  	_ =	shalt  }
0x6f: {  	_ =	shalt  }
0x70: {  	_ =	shalt  }
0x71: {  	_ =	shalt  }
0x72: {  	_ =	shalt  }
0x73: {  	_ =	shalt  }
0x74: {  	_ =	shalt  }
0x75: {  	_ =	shalt  }
0x76: {  	_ =	shalt  }
0x77: {  	_ =	shalt  }
0x78: {  	_ =	shalt  }
0x79: {  	_ =	shalt  }
0x7a: {  	_ =	shalt  }
0x7b: {  	_ =	shalt  }
0x7c: {  	_ =	shalt  }
0x7d: {  	_ =	shalt  }
0x7e: {  	_ =	shalt  }
0x7f: {  	_ =	shalt  }
0x80: {  	_ =	shalt  }
0x81: {  	_ =	shalt  }
0x82: {  	_ =	shalt  }
0x83: {  	_ =	shalt  }
0x84: {  	_ =	shalt  }
0x85: {  	_ =	shalt  }
0x86: {  	_ =	shalt  }
0x87: {  	_ =	shalt  }
.Lfunc_end0:
.L_simem_size_0:
called_computation_lowered:
.L_overlay_start_0:
0x88: {  	s2 =	sld [smem:$0x3FD9]  }
0x89: {  	s3 =	sld [smem:$0x3FFE];
	_ =	sdelay $0x1  }
0x8a: {  	s1 =	srdreg.scid  }
0x8b: {  	s0 =	sand.u32 $0x1, s1  }
0x8c: {  	s17 =	sshll.u32 s0, $0xA;
	s2 =	sadd.s32 s3, s2  }
0x8d: {  	s2 =	sadd.s32 s2, s17  }
0x8e: {  	[smem:$0x3FC4] =	sst s2  }
0x8f: {  	_ = 	snop  }
0x90: {  	s2 =	sld [smem:$0x3FD0];
	(tm) =	ssettm $0x1  }
0x91: {  	s18 =	sld [smem:$0x3FFB];
	_ =	sdelay $0x3  }
0x92: {  	_ =	strace s18  }
0x93: {  	s3 =	sld [smem:$0x3FFC];
	_ =	sdelay $0x3  }
0x94: {  	_ =	strace s3  }
0x95: {  	s3 =	sld [smem:$0x3FFD];
	_ =	sdelay $0x3  }
0x96: {  	_ =	strace s3  }
0x97: {  	_ =	strace $0x8FFFFFFF  }
0x98: {  	s19 =	sld [smem:$0x3FDB];
	_ =	sdelay $0x1  }
0x99: {  	s4 =	simm.s32 $_scs_section_size  }
0x9a: {  	s5 =	simm.s32 $_size__tile_overlayer_lowered;
	s6 =	simm.s32 $_tile_overlayer_lowered  }
0x9b: {  	s22 =	simm.s32 $0x1BFF;
	s21 =	sshll.u32 s6, $0x1;
	s3 =	sadd.s32 s4, s19  }
0x9c: {  	s7 =	simm.s32 $0x0;
	s20 =	sshll.u32 s5, $0x1;
	s5 =	sadd.s32 s21, s3  }
0x9d: {  	[timem:s7], [sflag:s22] =	dma.local [hbm:s5], s20  }
0x9e: {  	_ =	swait.ge [sflag:s22], s20  }
0x9f: {  	s4 =	ssub.s32 $0x0, s20;
	[sflag:s22] =	ssyncset.done $0x0  }
0xa0: {  	[sflag:s22] =	ssyncadd.s32 s4;
	_ =	sdelay $0x1  }
0xa1: {  	s23 =	simm.s32 $0x1B8B  }
0xa2: {  	_ =	swait.ge [sflag:s23], $0x1  }
0xa3: {  	[sflag:s23] =	ssyncset.done $0x0  }
0xa4: {  	s25 =	simm.s32 $0x1B8E;
	s24 =	sld [smem:$0x3FFE];
	[sflag:s23] =	ssyncadd.s32 $0xFFFFFFFF  }
0xa5: {  	s26 =	simm.s32 $execute0_lowered;
	[smem:$0x3FD2] =	sst s25  }
0xa6: {  	s5 =	sshll.u32 s26, $0x1;
	_ =	strace $0x80000046;
	[dreg:$0x1] =	wrdreg $0xFFFFFFFF  }
0xa7: {  	s28 =	simm.s32 $_size_execute0_lowered;
	s3 =	sadd.s32 s3, s5;
	[dreg:$0x0] =	wrdreg $0x0  }
0xa8: {  	s5 =	sshll.u32 s28, $0x1;
	[dreg:$0x2] =	wrdreg s3  }
0xa9: {  	[dreg:$0x3] =	wrdreg s5  }
0xaa: {  	[dreg:$0x4] =	wrdreg $0xC0  }
0xab: {  	_ =	task [dreg:s7], $0x5FFFF  }
0xac: {  	[dreg:$0x1] =	wrdreg $0xFFFFFFFF  }
0xad: {  	[dreg:$0x0] =	wrdreg $0x60  }
0xae: {  	[dreg:$0x2] =	wrdreg s24  }
0xaf: {  	[dreg:$0x3] =	wrdreg s2  }
0xb0: {  	[dreg:$0x4] =	wrdreg $0x66000  }
0xb1: {  	[dreg:$0x5] =	wrdreg $0x106000  }
0xb2: {  	[dreg:$0x6] =	wrdreg $0x9  }
0xb3: {  	_ =	task.clear_ibuf [dreg:s7], $0x7FFFF;
	_ =	strace $0x90000046  }
0xb4: {  	s29 =	simm.s32 $0x9;
	_ =	strace $0x80000048  }
0xb5: {  	_ =	swait.ge [sflag:s29], $0x1  }
0xb6: {  	[sflag:s29] =	ssyncadd.s32 $0xFFFFFFFF  }
0xb7: {  	_ =	strace $0x90000048  }
0xb8: {  	_ =	sfence  }
0xb9: {  	s30 =	sld [smem:$0x0];
	_ =	sdelay $0x2  }
0xba: {  	s31 =	sshll.u32 s1, $0xD;
	s1 =	sshrl.u32 s1, $0x2  }
0xbb: {  	s3 =	sand.u32 $0x4000, s31;
	s1 =	sadd.s32 s1, s30  }
0xbc: {  	s0 =	sor.u32 s3, s0;
	s1 =	sshll.u32 s1, $0x11  }
0xbd: {  	s0 =	sor.u32 s1, s0  }
0xbe: {  	s0 =	sadd.s32 $0x8F2B, s0  }
0xbf: {  	[sflag:s0] =	ssyncadd.remote.s32 $0x1  }
0xc0: {  	_ =	sfence.sel $0xFFFF  }
0xc1: {  	[dreg:$0x0] =	wrdreg $0xFFFFFFFF;
	(pc) =	sbr.abs _section_cstart, $3  }
0xc2: {  	[dreg:$0x1] =	wrdreg $0xFFFFFFFF  }
0xc3: {  	_ =	task.clear_ibuf [dreg:s7], $0x2FFFF;
	_ =	strace $0x9FFFFFFF  }
0xc4: {  	(tm) =	ssettm $0x7FFFFFFF  }
0xc5: {  	_ =	shalt  }
tec
execute0_lowered:
.L_overlay_start_1:
0x0: {  	(tag) =	ssettag $0x1  }
0x1: {  	s0 =	rddreg [dreg:$0x0]  }
0x2: {  	s1 =	rddreg [dreg:$0x1]  }
0x3: {  	s2 =	rddreg [dreg:$0x2]  }
0x4: {  	s3 =	rddreg [dreg:$0x3];
	s5 =	srdreg.scid  }
0x5: {  	s18 =	stileid.u32;
	s4 =	simm.s32 $0x0;
	s29 =	simm.s32 $0x7  }
0x6: {  	s30 =	simm.s32 $0x8;
	s28 =	simm.s32 $0x80;
	s31 =	simm.s32 $0x2600  }
0x7: {  	s7 =	sand.u32 $0x1, s5;
	s8 =	smul.u32 $0x1400, s18;
	[smem:$0x7FF] =	sst s4  }
0x8: {  	s5 =	sadd.s32 $0xA000, s0;
	s10 =	smul.u32 $0x14000, s18;
	s6 =	sadd.s32 $0x200, s0  }
0x9: {  	s13 =	smul.u32 $0x28000, s18;
	p0 =	seq.s32 s18, $0xF;
	p1 =	sgt.u32 s18, $0x1  }
0xa: {  	s9 =	smul.u32 $0x14000, s7;
	_ =	strace $0x80000047;
	s26 =	ssub.s32 $0x2, s7  }
0xb: {  	s7 =	smul.u32 $0x4E2, s7;
	s11 =	sshrl.u32 s26, $0x1;
	s12 =	sshrl.u32 s10, $0x1  }
0xc: {  	s10 =	sshrl.u32 s10, $0x4;
	s8 =	sadd.s32 s8, s9;
	s9 =	ssub.s32 s26, s11  }
0xd: {  	s11 =	sadd.s32 s12, s2;
	s12 =	sshrl.u32 s13, $0x2;
	s13 =	smul.u32 $0x4E, s18  }
0xe: {  	s0 =	sadd.s32 s8, s0;
	s8 =	sadd.s32 s1, s10;
	s1 =	sadd.s32 $0x12C00, s1  }
0xf: {  	s26 =	smax.u32 s9, $0x1;
	s9 =	simm.s32 $0x1;
	[dreg:$0x5] =	wrdreg s8  }
0x10: {  	s8 =	sadd.s32 s12, s3;
	s12 =	sadd.s32 $0x96000, s2;
	[dreg:$0x6] =	wrdreg s1  }
0x11: {  	s17 =	sadd.s32 s13, s7;
	s0 =	sadd.s32 $0x13E00, s0;
	[dreg:$0x12] =	wrdreg s26  }
0x12: {  	s7 =	sadd.s32 s18, s7;
	s14 =	sadd.s32 $0x2000, s8;
	[dreg:$0x11] =	wrdreg s0  }
0x13: {  	s26 =	simm.s32 $0x9;
	s15 =	sadd.s32 $0x4000, s8;
	[dreg:$0x7] =	wrdreg s14  }
0x14: {  	s13 =	simm.s32 $0x5;
	s16 =	sadd.s32 $0x6000, s8;
	[dreg:$0x8] =	wrdreg s15  }
0x15: {  	s19 =	sadd.s32 $0x8000, s8;
	s20 =	sshll.u32 s17, $0x4;
	[dreg:$0x9] =	wrdreg s16  }
0x16: {  	s1 =	simm.s32 $0x6;
	[dreg:$0xa] =	wrdreg s19;
	s21 =	sadd.s32 s5, s20  }
0x17: {  	s22 =	sadd.s32 $0x30, s20;
	s10 =	sadd.s32 s6, s20;
	[dreg:$0xb] =	wrdreg s21  }
0x18: {  	s7 =	sshll.u32 s7, $0x4;
	[dreg:$0xc] =	wrdreg s10;
	s23 =	sadd.s32 s5, s22  }
0x19: {  	s7 =	sadd.s32 $0x4E00, s7;
	s24 =	sadd.s32 s6, s22;
	[dreg:$0xd] =	wrdreg s23  }
0x1a: {  	s0 =	simm.s32 $0x480;
	s25 =	sadd.s32 s5, s7;
	[dreg:$0xe] =	wrdreg s24  }
0x1b: {  	s16 =	sadd.s32 $0x6, s17;
	s7 =	sadd.s32 s6, s7;
	[dreg:$0xf] =	wrdreg s25  }
0x1c: {  	s14 =	simm.s32 $0x0;
	s10 =	simm.s32 $0x2;
	[dreg:$0x10] =	wrdreg s7  }
0x1d: {  	s23 =	sshrl.u32 @p0 s12, $0x3;
	s24 =	sshrl.u32 @!p0 s11, $0x3;
	s25 =	simm.s32 $0x600  }
0x1e: {  	v0 =	vimm.bf16 $0.0e+00;
	s7 =	simm.s32 $0x4600;
	s11 =	simm.s32 $0x3;
	s12 =	simm.s32 $0x4  }
.LBB2_1:
0x1f: {  	s15 =	simm.s32 @p0 $0x1FC9;
	s17 =	rddreg [dreg:$0x6]  }
0x20: {  	[spmem:s23], [sflag:s15] =	dma.local @p0 [hbm:s17], $0xC80  }
0x21: {  	s15 =	simm.s32 @p0 $0x9  }
0x22: {  	_ =	swait.ge @p0 [sflag:s15], $0xC80  }
0x23: {  	s17 =	sshll.u32 @!p0 s18, $0x6;
	[sflag:s15] =	ssyncset.done @p0 $0x0  }
0x24: {  	[sflag:s15] =	ssyncadd.s32 @p0 $0xFFFFF380;
	s15 =	sor.u32 @!p0 $0x1C09, s17;
	s17 =	rddreg [dreg:$0x5]  }
0x25: {  	[spmem:s24], [sflag:s15] =	dma.local @!p0 [hbm:s17], $0x1400  }
0x26: {  	s15 =	simm.s32 @!p0 $0x9  }
0x27: {  	_ =	swait.ge @!p0 [sflag:s15], $0x1400  }
0x28: {  	[sflag:s15] =	ssyncset.done @!p0 $0x0  }
0x29: {  	s17 =	simm.s32 $0x100;
	[sflag:s15] =	ssyncadd.s32 @!p0 $0xFFFFEC00;
	s15 =	simm.s32 $0x0  }
.LBB2_2:
0x2a: {  	p2 =	sne.s32 s17, $0x7F00;
	[tilespmem:s15+$0x630] =	vst v0;
	s18 =	smov.u32 s17;
	s17 =	sadd.s32 $0x100, s17  }
.Ltmp0:
0x2b: {  	[tilespmem:s15+$0x620] =	vst v0;
	(pc) =	sbr.rel @p2 .LBB2_2-.Ltmp0, $3  }
0x2c: {  	[tilespmem:s15+$0x600] =	vst v0  }
0x2d: {  	[tilespmem:s15+$0x610] =	vst v0;
	_ =	sdelay $0x1  }
0x2e: {  	s15 =	sshra.s32 s18, $0x2  }
0x2f: {  	[tilespmem:s15+$0x630] =	vst v0  }
0x30: {  	[tilespmem:s15+$0x620] =	vst v0  }
0x31: {  	[tilespmem:s15+$0x600] =	vst v0  }
0x32: {  	[tilespmem:s15+$0x610] =	vst v0  }
0x33: {  	[spmem:s8] =	stream.linear.scatter [tilespmem:s25], [sflag:$0x9], $0x2000, $0x38;
	[tilespmem:$0x1A600] =	vst v63  }
0x34: {  	_ =	swait.ge [sflag:s26], $0x2000  }
0x35: {  	[sflag:s26] =	ssyncset.done $0x0  }
0x36: {  	s18 =	rddreg [dreg:$0x7];
	[sflag:s26] =	ssyncadd.s32 $0xFFFFE000  }
0x37: {  	[spmem:s18] =	stream.linear.scatter [tilespmem:s25], [sflag:$0x9], $0x2000, $0x38;
	[tilespmem:$0x1A600] =	vst v63  }
0x38: {  	_ =	swait.ge [sflag:s26], $0x2000  }
0x39: {  	[sflag:s26] =	ssyncset.done $0x0  }
0x3a: {  	s19 =	rddreg [dreg:$0x8];
	[sflag:s26] =	ssyncadd.s32 $0xFFFFE000  }
0x3b: {  	[spmem:s19] =	stream.linear.scatter [tilespmem:s25], [sflag:$0x9], $0x2000, $0x38;
	[tilespmem:$0x1A600] =	vst v63  }
0x3c: {  	_ =	swait.ge [sflag:s26], $0x2000  }
0x3d: {  	[sflag:s26] =	ssyncset.done $0x0  }
0x3e: {  	s20 =	rddreg [dreg:$0x9];
	[sflag:s26] =	ssyncadd.s32 $0xFFFFE000  }
0x3f: {  	[spmem:s20] =	stream.linear.scatter [tilespmem:s25], [sflag:$0x9], $0x2000, $0x38;
	[tilespmem:$0x1A600] =	vst v63  }
0x40: {  	_ =	swait.ge [sflag:s26], $0x2000  }
0x41: {  	[sflag:s26] =	ssyncset.done $0x0  }
0x42: {  	s21 =	rddreg [dreg:$0xa];
	[sflag:s26] =	ssyncadd.s32 $0xFFFFE000  }
0x43: {  	[spmem:s21] =	stream.linear.scatter [tilespmem:s25], [sflag:$0x9], $0x2000, $0x38;
	[tilespmem:$0x1A600] =	vst v63  }
0x44: {  	_ =	swait.ge [sflag:s26], $0x2000  }
0x45: {  	[sflag:s26] =	ssyncset.done $0x0  }
0x46: {  	[sflag:s26] =	ssyncadd.s32 $0xFFFFE000  }
0x47: {  	[bflag:$0x0] =	sbarrier.arrive $0xFFFF  }
0x48: {  	s15 =	simm.s32 $0x0;
	s17 =	rddreg [dreg:$0xb]  }
0x49: {  	[tilespmem:s15], [sflag:$0x7] =	stream.linear.gather [hbm4b:s17+s15], $0x180, $0x38;
	[tilespmem:$0x1A600] =	vst v63  }
0x4a: {  	s18 =	simm.s32 $0x300;
	s22 =	rddreg [dreg:$0xc]  }
0x4b: {  	[tilespmem:s18], [sflag:$0x8] =	stream.linear.gather [hbm4b:s22+s15], $0x180, $0x38;
	[tilespmem:$0x1A600] =	vst v63  }
0x4c: {  	_ =	swait.ge [sflag:s29], $0x180  }
0x4d: {  	[sflag:s29] =	ssyncset.done $0x0  }
0x4e: {  	[sflag:s29] =	ssyncadd.s32 $0xFFFFFE80  }
0x4f: {  	_ =	swait.ge [sflag:s30], $0x180  }
0x50: {  	[sflag:s30] =	ssyncset.done $0x0  }
0x51: {  	s19 =	simm.s32 $0x180;
	s18 =	rddreg [dreg:$0xd];
	[sflag:s30] =	ssyncadd.s32 $0xFFFFFE80  }
0x52: {  	[tilespmem:s19], [sflag:$0x7] =	stream.linear.gather [hbm4b:s18+s15], $0x180, $0x38;
	[tilespmem:$0x1A600] =	vst v63  }
0x53: {  	s20 =	rddreg [dreg:$0xe]  }
0x54: {  	[tilespmem:s0], [sflag:$0x8] =	stream.linear.gather [hbm4b:s20+s15], $0x180, $0x38;
	[tilespmem:$0x1A600] =	vst v63  }
0x55: {  	_ = 	snop  }
0x56: {  	[tilespmem:s25], [sflag:$0x1] =	stream.indirect.gather [spmem:s2], $0x40, s15, s28, $0xb8;
	[tilespmem:$0x1A600] =	vst v63  }
0x57: {  	_ = 	snop  }
0x58: {  	[tilespmem:s31], [sflag:$0x2] =	stream.indirect.gather [spmem:s2], $0x40, s28, s28, $0xb8;
	[tilespmem:$0x1A600] =	vst v63  }
0x59: {  	s21 =	simm.s32 $0x100;
	s22 =	sand.u32 $0x1, s15  }
0x5a: {  	[tilespmem:s7], [sflag:$0x3] =	stream.indirect.gather [spmem:s2], $0x40, s21, s28, $0xb8;
	[tilespmem:$0x1A600] =	vst v63  }
0x5b: {  	s18 =	smul.u32 $0x180, s22;
	_ =	swait.ge [sflag:s9], $0x2000  }
0x5c: {  	[sflag:s9] =	ssyncset.done $0x0  }
0x5d: {  	s15 =	sadd.s32 $0x300, s18;
	[sflag:s9] =	ssyncadd.s32 $0xFFFFE000  }
0x5e: {  	[spmem:s3] =	stream.indirect.scatter.add.bf16 [tilespmem:s25], [sflag:$0x4], $0x40, s15, s28, $0xb8;
	[tilespmem:$0x1A600] =	vst v63  }
0x5f: {  	_ =	swait.ge [sflag:s10], $0x2000  }
0x60: {  	[sflag:s10] =	ssyncset.done $0x0  }
0x61: {  	s19 =	sadd.s32 $0x380, s18;
	[sflag:s10] =	ssyncadd.s32 $0xFFFFE000  }
0x62: {  	[spmem:s3] =	stream.indirect.scatter.add.bf16 [tilespmem:s31], [sflag:$0x5], $0x40, s19, s28, $0xb8;
	[tilespmem:$0x1A600] =	vst v63  }
0x63: {  	_ =	swait.ge [sflag:s11], $0x2000  }
0x64: {  	[sflag:s11] =	ssyncset.done $0x0  }
0x65: {  	s20 =	sor.u32 $0x400, s18;
	[sflag:s11] =	ssyncadd.s32 $0xFFFFE000  }
0x66: {  	[spmem:s3] =	stream.indirect.scatter.add.bf16 [tilespmem:s7], [sflag:$0x6], $0x40, s20, s28, $0xb8;
	[tilespmem:$0x1A600] =	vst v63  }
0x67: {  	_ =	swait.ge [sflag:s29], $0x180  }
0x68: {  	[sflag:s29] =	ssyncset.done $0x0  }
0x69: {  	[sflag:s29] =	ssyncadd.s32 $0xFFFFFE80  }
0x6a: {  	_ =	swait.ge [sflag:s30], $0x180  }
0x6b: {  	[sflag:s30] =	ssyncset.done $0x0  }
0x6c: {  	[sflag:s30] =	ssyncadd.s32 $0xFFFFFE80  }
0x6d: {  	_ =	swait.ge [sflag:s12], $0x2000  }
0x6e: {  	[sflag:s12] =	ssyncset.done $0x0  }
0x6f: {  	[sflag:s12] =	ssyncadd.s32 $0xFFFFE000  }
0x70: {  	_ =	swait.ge [sflag:s13], $0x2000  }
0x71: {  	[sflag:s13] =	ssyncset.done $0x0  }
0x72: {  	s17 =	sxor.u32 $0x1, s22;
	[sflag:s13] =	ssyncadd.s32 $0xFFFFE000  }
0x73: {  	s17 =	smul.u32 $0x600, s17;
	_ =	swait.ge [sflag:s1], $0x2000  }
0x74: {  	p2 =	slt.s32 s16, $0x9C1;
	[sflag:s1] =	ssyncset.done $0x0  }
0x75: {  	s17 =	sshrl.u32 s17, $0x2;
	s19 =	smov.u32 s16;
	[sflag:s1] =	ssyncadd.s32 $0xFFFFE000  }
0x76: {  	[tilespmem:s25], [sflag:$0x1] =	stream.indirect.gather [spmem:s2], $0x40, s17, s28, $0xb8;
	[tilespmem:$0x1A600] =	vst v63  }
0x77: {  	s21 =	sadd.s32 $0x80, s17;
	s19 =	simm.s32 @!p2 $0x9C1  }
0x78: {  	[tilespmem:s31], [sflag:$0x2] =	stream.indirect.gather [spmem:s2], $0x40, s21, s28, $0xb8;
	[tilespmem:$0x1A600] =	vst v63  }
0x79: {  	s19 =	sshll.u32 s19, $0x4;
	s17 =	sadd.s32 $0x100, s17  }
0x7a: {  	[tilespmem:s7], [sflag:$0x3] =	stream.indirect.gather [spmem:s2], $0x40, s17, s28, $0xb8;
	[tilespmem:$0x1A600] =	vst v63  }
0x7b: {  	s22 =	sadd.s32 s5, s19  }
0x7c: {  	[tilespmem:s18], [sflag:$0x7] =	stream.linear.gather [hbm4b:s22+s4], $0x180, $0x38;
	[tilespmem:$0x1A600] =	vst v63  }
0x7d: {  	s20 =	sadd.s32 s6, s19;
	s17 =	simm.s32 $0x1;
	s22 =	smov.u32 s16  }
.LBB2_4:
0x7e: {  	s19 =	smov.u32 s17  }
0x7f: {  	s18 =	sand.u32 $0x1, s17;
	s22 =	sadd.s32 $0x3, s22;
	s19 =	sadd.s32 $0x1, s17  }
0x80: {  	[tilespmem:s15], [sflag:$0x8] =	stream.linear.gather [hbm4b:s20+s4], $0x180, $0x38;
	[tilespmem:$0x1A600] =	vst v63  }
0x81: {  	s15 =	sxor.u32 $0x1, s18;
	s18 =	smul.u32 $0x180, s18;
	_ =	swait.ge [sflag:s9], $0x2000  }
0x82: {  	p2 =	sne.s32 s17, $0x18;
	s20 =	smul.u32 $0x600, s15;
	[sflag:s9] =	ssyncset.done $0x0  }
0x83: {  	s15 =	sadd.s32 $0x300, s18;
	[sflag:s9] =	ssyncadd.s32 $0xFFFFE000  }
0x84: {  	[spmem:s3] =	stream.indirect.scatter.add.bf16 [tilespmem:s25], [sflag:$0x4], $0x40, s15, s28, $0xb8;
	[tilespmem:$0x1A600] =	vst v63  }
0x85: {  	_ =	swait.ge [sflag:s10], $0x2000  }
0x86: {  	[sflag:s10] =	ssyncset.done $0x0  }
0x87: {  	s17 =	sadd.s32 $0x380, s18;
	[sflag:s10] =	ssyncadd.s32 $0xFFFFE000  }
0x88: {  	[spmem:s3] =	stream.indirect.scatter.add.bf16 [tilespmem:s31], [sflag:$0x5], $0x40, s17, s28, $0xb8;
	[tilespmem:$0x1A600] =	vst v63  }
0x89: {  	_ =	swait.ge [sflag:s11], $0x2000  }
0x8a: {  	[sflag:s11] =	ssyncset.done $0x0  }
0x8b: {  	s17 =	sor.u32 $0x400, s18;
	[sflag:s11] =	ssyncadd.s32 $0xFFFFE000  }
0x8c: {  	[spmem:s3] =	stream.indirect.scatter.add.bf16 [tilespmem:s7], [sflag:$0x6], $0x40, s17, s28, $0xb8;
	[tilespmem:$0x1A600] =	vst v63  }
0x8d: {  	_ =	swait.ge [sflag:s29], $0x180  }
0x8e: {  	[sflag:s29] =	ssyncset.done $0x0  }
0x8f: {  	[sflag:s29] =	ssyncadd.s32 $0xFFFFFE80  }
0x90: {  	_ =	swait.ge [sflag:s30], $0x180  }
0x91: {  	[sflag:s30] =	ssyncset.done $0x0  }
0x92: {  	[sflag:s30] =	ssyncadd.s32 $0xFFFFFE80  }
0x93: {  	_ =	swait.ge [sflag:s12], $0x2000  }
0x94: {  	[sflag:s12] =	ssyncset.done $0x0  }
0x95: {  	[sflag:s12] =	ssyncadd.s32 $0xFFFFE000  }
0x96: {  	_ =	swait.ge [sflag:s13], $0x2000  }
0x97: {  	[sflag:s13] =	ssyncset.done $0x0  }
0x98: {  	[sflag:s13] =	ssyncadd.s32 $0xFFFFE000  }
0x99: {  	_ =	swait.ge [sflag:s1], $0x2000  }
0x9a: {  	[sflag:s1] =	ssyncset.done $0x0  }
0x9b: {  	s17 =	sshrl.u32 s20, $0x2;
	[sflag:s1] =	ssyncadd.s32 $0xFFFFE000  }
0x9c: {  	[tilespmem:s25], [sflag:$0x1] =	stream.indirect.gather [spmem:s2], $0x40, s17, s28, $0xb8;
	[tilespmem:$0x1A600] =	vst v63  }
0x9d: {  	p3 =	slt.s32 s22, $0x9C1;
	s20 =	sadd.s32 $0x80, s17  }
0x9e: {  	[tilespmem:s31], [sflag:$0x2] =	stream.indirect.gather [spmem:s2], $0x40, s20, s28, $0xb8;
	[tilespmem:$0x1A600] =	vst v63  }
0x9f: {  	s20 =	smov.u32 s22  }
.Ltmp1:
0xa0: {  	s17 =	sadd.s32 $0x100, s17;
	s20 =	simm.s32 @!p3 $0x9C1;
	(pc) =	sbr.rel @p2 .LBB2_4-.Ltmp1, $4  }
0xa1: {  	[tilespmem:s7], [sflag:$0x3] =	stream.indirect.gather [spmem:s2], $0x40, s17, s28, $0xb8;
	[tilespmem:$0x1A600] =	vst v63  }
0xa2: {  	s17 =	sshll.u32 s20, $0x4  }
0xa3: {  	s21 =	sadd.s32 s5, s17;
	s20 =	sadd.s32 s6, s17;
	s17 =	smov.u32 s19  }
0xa4: {  	[tilespmem:s18], [sflag:$0x7] =	stream.linear.gather [hbm4b:s21+s4], $0x180, $0x38;
	[tilespmem:$0x1A600] =	vst v63  }
0xa5: {  	[tilespmem:s15], [sflag:$0x8] =	stream.linear.gather [hbm4b:s20+s4], $0x180, $0x38;
	[tilespmem:$0x1A600] =	vst v63  }
0xa6: {  	_ =	swait.ge [sflag:s9], $0x2000  }
0xa7: {  	[sflag:s9] =	ssyncset.done $0x0  }
0xa8: {  	[sflag:s9] =	ssyncadd.s32 $0xFFFFE000  }
0xa9: {  	[spmem:s3] =	stream.indirect.scatter.add.bf16 [tilespmem:s25], [sflag:$0x4], $0x40, s0, s28, $0xb8;
	[tilespmem:$0x1A600] =	vst v63  }
0xaa: {  	_ =	swait.ge [sflag:s10], $0x2000  }
0xab: {  	[sflag:s10] =	ssyncset.done $0x0  }
0xac: {  	s17 =	simm.s32 $0x500;
	[sflag:s10] =	ssyncadd.s32 $0xFFFFE000  }
0xad: {  	[spmem:s3] =	stream.indirect.scatter.add.bf16 [tilespmem:s31], [sflag:$0x5], $0x40, s17, s28, $0xb8;
	[tilespmem:$0x1A600] =	vst v63  }
0xae: {  	_ =	swait.ge [sflag:s11], $0x2000  }
0xaf: {  	[sflag:s11] =	ssyncset.done $0x0  }
0xb0: {  	s18 =	simm.s32 $0x580;
	[sflag:s11] =	ssyncadd.s32 $0xFFFFE000  }
0xb1: {  	[spmem:s3] =	stream.indirect.scatter.add.bf16 [tilespmem:s7], [sflag:$0x6], $0x40, s18, s28, $0xb8;
	[tilespmem:$0x1A600] =	vst v63  }
0xb2: {  	_ =	swait.ge [sflag:s29], $0x180  }
0xb3: {  	[sflag:s29] =	ssyncset.done $0x0  }
0xb4: {  	[sflag:s29] =	ssyncadd.s32 $0xFFFFFE80  }
0xb5: {  	_ =	swait.ge [sflag:s30], $0x180  }
0xb6: {  	[sflag:s30] =	ssyncset.done $0x0  }
0xb7: {  	[sflag:s30] =	ssyncadd.s32 $0xFFFFFE80  }
0xb8: {  	_ =	swait.ge [sflag:s12], $0x2000  }
0xb9: {  	[sflag:s12] =	ssyncset.done $0x0  }
0xba: {  	[sflag:s12] =	ssyncadd.s32 $0xFFFFE000  }
0xbb: {  	_ =	swait.ge [sflag:s13], $0x2000  }
0xbc: {  	[sflag:s13] =	ssyncset.done $0x0  }
0xbd: {  	[sflag:s13] =	ssyncadd.s32 $0xFFFFE000  }
0xbe: {  	_ =	swait.ge [sflag:s1], $0x2000  }
0xbf: {  	[sflag:s1] =	ssyncset.done $0x0  }
0xc0: {  	s15 =	simm.s32 @!p1 $0x0;
	s17 =	rddreg [dreg:$0xf];
	[sflag:s1] =	ssyncadd.s32 $0xFFFFE000  }
0xc1: {  	[tilespmem:s15], [sflag:$0x9] =	stream.linear.gather @!p1 [hbm4b:s17+s15], $0x80, $0x38;
	[tilespmem:$0x1A600] =	vst v63  }
0xc2: {  	s17 =	simm.s32 @!p1 $0x9  }
0xc3: {  	_ =	swait.ge @!p1 [sflag:s17], $0x80  }
0xc4: {  	[sflag:s17] =	ssyncset.done @!p1 $0x0  }
0xc5: {  	s18 =	simm.s32 @!p1 $0x300;
	s19 =	rddreg [dreg:$0x10];
	[sflag:s17] =	ssyncadd.s32 @!p1 $0xFFFFFF80  }
0xc6: {  	[tilespmem:s18], [sflag:$0x9] =	stream.linear.gather @!p1 [hbm4b:s19+s15], $0x80, $0x38;
	[tilespmem:$0x1A600] =	vst v63  }
0xc7: {  	_ =	swait.ge @!p1 [sflag:s17], $0x80  }
0xc8: {  	[sflag:s17] =	ssyncset.done @!p1 $0x0  }
0xc9: {  	s19 =	simm.s32 @!p1 $0x600;
	[sflag:s17] =	ssyncadd.s32 @!p1 $0xFFFFFF80;
	s17 =	simm.s32 @!p1 $0x80  }
0xca: {  	[tilespmem:s19], [sflag:$0x1] =	stream.indirect.gather @!p1 [spmem:s2], $0x40, s15, s17, $0xb8;
	[tilespmem:$0x1A600] =	vst v63  }
0xcb: {  	s15 =	simm.s32 @!p1 $0x1  }
0xcc: {  	_ =	swait.ge @!p1 [sflag:s15], $0x2000  }
0xcd: {  	[sflag:s15] =	ssyncset.done @!p1 $0x0  }
0xce: {  	[sflag:s15] =	ssyncadd.s32 @!p1 $0xFFFFE000;
	s15 =	simm.s32 @!p1 $0x4  }
0xcf: {  	[spmem:s3] =	stream.indirect.scatter.add.bf16 @!p1 [tilespmem:s19], [sflag:$0x4], $0x40, s18, s17, $0xb8;
	[tilespmem:$0x1A600] =	vst v63  }
0xd0: {  	_ =	swait.ge @!p1 [sflag:s15], $0x2000  }
0xd1: {  	[sflag:s15] =	ssyncset.done @!p1 $0x0  }
0xd2: {  	s18 =	stileid.u32;
	[sflag:s15] =	ssyncadd.s32 @!p1 $0xFFFFE000  }
0xd3: {  	s19 =	sshll.u32 s18, $0x6;
	[bflag:$0x0] =	sbarrier.arrive $0xFFFF  }
0xd4: {  	s20 =	sshrl.u32 s8, $0x3;
	s15 =	sor.u32 $0x1C09, s19;
	s21 =	rddreg [dreg:$0x11]  }
0xd5: {  	[hbm:s21], [sflag:s15] =	dma.local [spmem:s20], $0x1400  }
0xd6: {  	_ =	swait.ge [sflag:s26], $0x1400  }
0xd7: {  	s14 =	sadd.s32 $0x1, s14;
	s22 =	rddreg [dreg:$0x12]  }
0xd8: {  	p2 =	sne.s32 s14, s22  }
.Ltmp2:
0xd9: {  	_ = 	snop;
	(pc) =	sbr.rel @p2 .LBB2_1-.Ltmp2, $3  }
0xda: {  	_ =	sdelay $0x1  }
0xdb: {  	[sflag:s26] =	ssyncset.done $0x0  }
0xdc: {  	[sflag:s26] =	ssyncadd.s32 $0xFFFFEC00  }
0xdd: {  	_ =	sfence.sel $0x180000  }
0xde: {  	[bflag:$0x0] =	sbarrier.arrive $0xFFFF  }
0xdf: {  	_ =	strace $0x90000047  }
0xe0: {  	[bflag:$0x2] =	sbarrier.arrive $0xFFFF  }
0xe1: {  	p0 =	sne.s32 s18, $0x0;
	s0 =	rddreg [dreg:$0x4]  }
0xe2: {  	s0 =	sadd.s32 @!p0 $0x100000, s0  }
0xe3: {  	[sflag:s0] =	ssyncadd.tile.s32 @!p0 $0x1;
	_ =	shalt  }
.Lfunc_end2:
_tile_overlayer_lowered:
.L_overlay_start_2:
0xe4: {  	(tag) =	ssettag $0x2  }
0xe5: {  	s0 =	rddreg [dreg:$0x0];
	s2 =	stileid.u32  }
0xe6: {  	s1 =	rddreg [dreg:$0x1];
	p0 =	sne.s32 s2, $0x0  }
0xe7: {  	s3 =	rddreg [dreg:$0x2];
	[bflag:$0x3] =	sbarrier.arrive $0xFFFF;
	s2 =	simm.s32 @!p0 $0x1C09  }
0xe8: {  	[timem:s3], [sflag:s2] =	dma.local @!p0 [hbm:s0], s1  }
0xe9: {  	s0 =	simm.s32 @!p0 $0x9  }
0xea: {  	_ =	swait.ge @!p0 [sflag:s0], s1  }
0xeb: {  	s1 =	ssub.s32 @!p0 $0x0, s1;
	[sflag:s0] =	ssyncset.done @!p0 $0x0  }
0xec: {  	[sflag:s0] =	ssyncadd.s32 @!p0 s1  }
0xed: {  	[bflag:$0x3] =	sbarrier.arrive $0xFFFF  }
0xee: {  	_ =	shalt  }

</sc_bundles>
